<compile_context>
chip_gen: v7x
topology: tpu7x:2x2x1
jax: 0.10.2.dev20260603
libtpu: 0.0.44.dev20260713+nightly
codegen_flags: <defaults>
</compile_context>

<pallas_src>
import dataclasses
import functools

import jax
import jax.numpy as jnp
from jax import lax
from jax.experimental import pallas as pl
from jax.experimental.pallas import tpu as pltpu
from jax.experimental.pallas import tpu_sc as plsc

T = 1024
D = 1024
E = 8
TOPK = 2
FF = 512

R = 128
NT_MAX = 24
PADN = NT_MAX * R
NI = TOPK * T

NC, NS = 2, 16
NW = NC * NS
GB = PADN // NW
CB = T // NW

def _vmesh():
    return plsc.VectorSubcoreMesh(core_axis_name="c", subcore_axis_name="s")


def _sc_params():
    cp = pltpu.CompilerParams()
    if "needs_layout_passes" in pltpu.CompilerParams.__dataclass_fields__:
        cp = dataclasses.replace(cp, needs_layout_passes=False)
    return cp


def _lane_shift_cumsum(v):
    for sh in (1, 2, 4):
        v = v + jnp.concatenate(
            [jnp.zeros((1, sh), jnp.int32), v[:, :-sh]], axis=1)
    return v


def _router_kernel(logits_ref, pos_ref, w_ref, te_ref, ta_ref):
    lg = logits_ref[...]
    m = jnp.max(lg, axis=-1, keepdims=True)
    ex = jnp.exp(lg - m)
    p = ex / jnp.sum(ex, axis=-1, keepdims=True)
    lane = lax.broadcasted_iota(jnp.int32, (T, E), 1)
    v1 = jnp.max(p, axis=-1, keepdims=True)
    c1 = jnp.min(jnp.where(p == v1, lane, E), axis=-1, keepdims=True)
    p2 = jnp.where(lane == c1, -1.0, p)
    v2 = jnp.max(p2, axis=-1, keepdims=True)
    c2 = jnp.min(jnp.where(p2 == v2, lane, E), axis=-1, keepdims=True)
    denom = v1 + v2
    w_ref[...] = jnp.concatenate([v1 / denom, v2 / denom], axis=0)

    ef = jnp.concatenate([c1, c2], axis=0)
    oh = ef == lax.broadcasted_iota(jnp.int32, (NI, E), 1)
    ohf = oh.astype(jnp.bfloat16)
    rtri = lax.broadcasted_iota(jnp.int32, (256, 256), 0)
    ctri = lax.broadcasted_iota(jnp.int32, (256, 256), 1)
    ltri = (rtri > ctri).astype(jnp.bfloat16)
    carry = jnp.zeros((1, E), jnp.float32)
    ranks = []
    for b in range(NI // 256):
        blk = ohf[b * 256:(b + 1) * 256, :]
        rk = lax.dot_general(ltri, blk, (((1,), (0,)), ((), ())),
                             preferred_element_type=jnp.float32)
        ranks.append(rk + carry)
        carry = carry + jnp.sum(blk.astype(jnp.float32), axis=0,
                                keepdims=True)
    rank = jnp.concatenate(ranks, axis=0).astype(jnp.int32)

    counts = carry.astype(jnp.int32)
    ntiles = (counts + (R - 1)) >> 7
    pcounts = ntiles << 7
    pstarts = _lane_shift_cumsum(pcounts) - pcounts
    pos_ref[...] = jnp.sum(
        jnp.where(oh, pstarts + rank, 0), axis=1, keepdims=True)

    tiles_cum = _lane_shift_cumsum(ntiles)
    total = tiles_cum[:, E - 1:E]
    tt = lax.broadcasted_iota(jnp.int32, (NT_MAX, E), 0)
    te_raw = jnp.sum((tt >= tiles_cum).astype(jnp.int32), axis=1,
                     keepdims=True)
    lane8 = lax.broadcasted_iota(jnp.int32, (1, E), 1)
    emax = jnp.max(jnp.where(counts > 0, lane8, 0), axis=1,
                   keepdims=True)
    tidx = lax.broadcasted_iota(jnp.int32, (NT_MAX, 1), 0)
    active = tidx < total
    te_ref[...] = jnp.where(active, jnp.minimum(te_raw, E - 1), emax)
    ta_ref[...] = active.astype(jnp.int32)


def _gather_rows(x_hbm, pos_hbm, wf_hbm, xs_hbm, wp_hbm, posv, wv, tokv,
                 w96, rowsv, sem, sem2):
    wid = lax.axis_index("s") * NC + lax.axis_index("c")
    base = wid * GB
    cpp = pltpu.async_copy(pos_hbm, posv, sem)
    cpw = pltpu.async_copy(wf_hbm, wv, sem2)
    cpp.wait()
    cpw.wait()

    @pl.loop(0, GB // 16)
    def _(c):
        i16 = lax.broadcasted_iota(jnp.int32, (16,), 0) + (base + c * 16)
        tokv[pl.ds(c * 16, 16)] = jnp.bitwise_and(i16, T - 1)
        w96[pl.ds(c * 16, 16)] = jnp.zeros((16,), jnp.float32)

    @pl.loop(0, NI // 16)
    def _(c):
        iv = posv[pl.ds(c * 16, 16)] - base
        msk = jnp.logical_and(iv >= 0, iv < GB)
        ivc = jnp.minimum(jnp.maximum(iv, 0), GB - 1)
        i16 = lax.broadcasted_iota(jnp.int32, (16,), 0) + c * 16
        plsc.store_scatter(tokv, [ivc], jnp.bitwise_and(i16, T - 1),
                           mask=msk)
        plsc.store_scatter(w96, [ivc], wv[pl.ds(c * 16, 16)], mask=msk)

    pltpu.async_copy(x_hbm.at[tokv], rowsv, sem).wait()
    cpo = pltpu.async_copy(rowsv, xs_hbm.at[pl.ds(base, GB)], sem)
    cpw2 = pltpu.async_copy(w96, wp_hbm.at[pl.ds(base, GB)], sem2)
    cpo.wait()
    cpw2.wait()


def _combine(contrib_hbm, posa_hbm, posb_hbm, out_hbm, ia, ib, ra, rb,
             sem, sem2):
    wid = lax.axis_index("s") * NC + lax.axis_index("c")
    base = wid * CB
    cpa = pltpu.async_copy(posa_hbm.at[pl.ds(base, CB)], ia, sem)
    cpb = pltpu.async_copy(posb_hbm.at[pl.ds(base, CB)], ib, sem2)
    cpa.wait()
    cpb.wait()
    ga = pltpu.async_copy(contrib_hbm.at[ia], ra, sem)
    gb = pltpu.async_copy(contrib_hbm.at[ib], rb, sem2)
    ga.wait()
    gb.wait()

    @pl.loop(0, CB)
    def _(j):
        for c in range(D // 16):
            sl = pl.ds(c * 16, 16)
            ra[j, sl] = ra[j, sl] + rb[j, sl]

    pltpu.async_copy(ra, out_hbm.at[pl.ds(base, CB)], sem).wait()


def _ffn_kernel(te_ref, ta_ref, xs_ref, wrow_ref, wgu_ref, wd_ref,
                contrib_ref):
    i = pl.program_id(0)

    @pl.when(ta_ref[i] == 1)
    def _():
        xt = xs_ref[...].astype(jnp.bfloat16)
        gu = lax.dot_general(
            xt, wgu_ref[0], (((1,), (1,)), ((), ())),
            preferred_element_type=jnp.float32)
        g = gu[:, :FF]
        u = gu[:, FF:]
        act = (g * jax.nn.sigmoid(g)) * u
        act = (act * wrow_ref[0]).astype(jnp.bfloat16)
        contrib_ref[...] = lax.dot_general(
            act, wd_ref[0], (((1,), (1,)), ((), ())),
            preferred_element_type=jnp.float32)


def kernel(hidden_states, router_weight, w_gate_up, w_down):
    router_logits = hidden_states @ router_weight.T

    pos, wflat, tile_expert, tile_active = pl.pallas_call(
        _router_kernel,
        grid=(1,),
        in_specs=[pl.BlockSpec((T, E), lambda i: (0, 0))],
        out_specs=[
            pl.BlockSpec((NI, 1), lambda i: (0, 0)),
            pl.BlockSpec((NI, 1), lambda i: (0, 0)),
            pl.BlockSpec((NT_MAX, 1), lambda i: (0, 0)),
            pl.BlockSpec((NT_MAX, 1), lambda i: (0, 0)),
        ],
        out_shape=[
            jax.ShapeDtypeStruct((NI, 1), jnp.int32),
            jax.ShapeDtypeStruct((NI, 1), jnp.float32),
            jax.ShapeDtypeStruct((NT_MAX, 1), jnp.int32),
            jax.ShapeDtypeStruct((NT_MAX, 1), jnp.int32),
        ],
    )(router_logits)
    pos1d = pos.reshape(NI)
    wflat1d = wflat.reshape(NI)

    gather_rows = functools.partial(
        pl.kernel, mesh=_vmesh(),
        out_type=[
            jax.ShapeDtypeStruct((PADN, D), jnp.float32),
            jax.ShapeDtypeStruct((PADN,), jnp.float32),
        ],
        scratch_types=[
            pltpu.VMEM((NI,), jnp.int32),
            pltpu.VMEM((NI,), jnp.float32),
            pltpu.VMEM((GB,), jnp.int32),
            pltpu.VMEM((GB,), jnp.float32),
            pltpu.VMEM((GB, D), jnp.float32),
            pltpu.SemaphoreType.DMA,
            pltpu.SemaphoreType.DMA,
        ],
        compiler_params=_sc_params(),
    )(_gather_rows)
    xs, w_padded = gather_rows(hidden_states, pos1d, wflat1d)

    grid_spec = pltpu.PrefetchScalarGridSpec(
        num_scalar_prefetch=2,
        grid=(NT_MAX,),
        in_specs=[
            pl.BlockSpec((R, D), lambda i, te, ta: (i, 0)),
            pl.BlockSpec((1, R, 1), lambda i, te, ta: (i, 0, 0)),
            pl.BlockSpec((1, 2 * FF, D), lambda i, te, ta: (te[i], 0, 0)),
            pl.BlockSpec((1, D, FF), lambda i, te, ta: (te[i], 0, 0)),
        ],
        out_specs=pl.BlockSpec((R, D), lambda i, te, ta: (i, 0)),
    )
    contrib = pl.pallas_call(
        _ffn_kernel,
        grid_spec=grid_spec,
        out_shape=jax.ShapeDtypeStruct((PADN, D), jnp.float32),
    )(tile_expert.reshape(NT_MAX), tile_active.reshape(NT_MAX), xs,
      w_padded.reshape(NT_MAX, R, 1), w_gate_up, w_down)

    combine = functools.partial(
        pl.kernel, mesh=_vmesh(),
        out_type=jax.ShapeDtypeStruct((T, D), jnp.float32),
        scratch_types=[
            pltpu.VMEM((CB,), jnp.int32),
            pltpu.VMEM((CB,), jnp.int32),
            pltpu.VMEM((CB, D), jnp.float32),
            pltpu.VMEM((CB, D), jnp.float32),
            pltpu.SemaphoreType.DMA,
            pltpu.SemaphoreType.DMA,
        ],
    )(_combine)
    out = combine(contrib, pos1d[:T], pos1d[T:])
    return out

# --- scband reference (transcript-rebuilt; emitter-appended) ---
"""Pipeline reference for scband-qwen3-next-sparse-moe-block-2482491097103 (READ-ONLY COPY).

The authoritative reference and input builder live on the scoring server;
editing this copy changes nothing except your own understanding.
"""

import jax, jax.numpy as jnp
import numpy as np

T = 1024       # total tokens (batch=128 * q_len=8)
D = 1024       # hidden_size
E = 8          # num_experts
TOPK = 2       # num_experts_per_tok
FF = 512       # moe_intermediate_size


def setup_inputs(seed: int = 0) -> dict:
    key = jax.random.key(seed)
    k1, k2, k3, k4 = jax.random.split(key, 4)
    hidden_states = jax.random.normal(k1, (T, D), dtype=jnp.float32)
    # learned parameters sized per init_kwargs
    router_weight = jax.random.normal(k2, (E, D), dtype=jnp.float32) * 0.02
    w_gate_up = jax.random.normal(k3, (E, 2 * FF, D), dtype=jnp.float32) * 0.02
    w_down = jax.random.normal(k4, (E, D, FF), dtype=jnp.float32) * 0.02
    return {
        "hidden_states": hidden_states,
        "router_weight": router_weight,
        "w_gate_up": w_gate_up,
        "w_down": w_down,
    }


def reference(hidden_states, router_weight, w_gate_up, w_down):
    # 1) route gate: router_logits = x @ Wg^T  (F.linear(x, w))
    router_logits = hidden_states @ router_weight.T                      # [T, E]
    # 2) select experts: softmax -> top-k -> renormalize (fused_topk w/ renormalize=True)
    probs = jax.nn.softmax(router_logits.astype(jnp.float32), axis=-1)   # [T, E]
    topk_vals, topk_idx = jax.lax.top_k(probs, TOPK)                     # [T, K]
    topk_vals = topk_vals / jnp.sum(topk_vals, axis=-1, keepdims=True)   # renormalize
    # combine weights [T, E]: sparse routing weights (zero for unselected experts)
    combine = jnp.sum(
        jax.nn.one_hot(topk_idx, E, dtype=hidden_states.dtype) * topk_vals[..., None],
        axis=1,
    )                                                                    # [T, E]
    # 3) moe gate+up proj (grouped GEMM, n = 2 * moe_intermediate_size)
    gate_up = jnp.einsum('td,end->ten', hidden_states, w_gate_up)        # [T, E, 2*FF]
    gate, up = jnp.split(gate_up, 2, axis=-1)                            # [T, E, FF] x2
    # 4) silu_and_mul activation
    act = jax.nn.silu(gate) * up                                         # [T, E, FF]
    # 5) moe down proj (grouped GEMM)
    expert_out = jnp.einsum('tef,edf->ted', act, w_down)                 # [T, E, D]
    # weighted combine over selected experts
    out = jnp.einsum('te,ted->td', combine, expert_out)                  # [T, D]
    return out

if __name__ == "__main__":
    import jax
    _d = setup_inputs()
    print(jax.jit(kernel)(*tuple(_d.values())))

</pallas_src>

<mosaic_0001>
#map = affine_map<(d0, d1) -> (0, 0)>
#map1 = affine_map<(d0, d1) -> (0)>
module attributes {stable_mosaic.version = 14 : i64} {
  func.func @_combine(%arg0: i32, %arg1: i32, %arg2: memref<3072x1024xf32, #tpu.memory_space<hbm>>, %arg3: memref<1024xi32, #tpu.memory_space<hbm>>, %arg4: memref<1024xi32, #tpu.memory_space<hbm>>, %arg5: memref<1024x1024xf32, #tpu.memory_space<hbm>>, %arg6: memref<32xi32, #tpu.memory_space<vmem>>, %arg7: memref<32xi32, #tpu.memory_space<vmem>>, %arg8: memref<32x1024xf32, #tpu.memory_space<vmem>>, %arg9: memref<32x1024xf32, #tpu.memory_space<vmem>>, %arg10: memref<!tpu.dma_semaphore, #tpu.memory_space<semaphore_mem>>, %arg11: memref<!tpu.dma_semaphore, #tpu.memory_space<semaphore_mem>>) attributes {dimension_semantics = [#tpu.dimension_semantics<core_parallel>, #tpu.dimension_semantics<subcore_parallel>], iteration_bounds = array<i64: 2, 16>, scalar_prefetch = 0 : i64, scratch_operands = 6 : i64, tpu.core_type = #tpu.core_type<sc_vector_subcore>, window_params = [{transform_indices = #map}, {transform_indices = #map1}, {transform_indices = #map1}, {transform_indices = #map}]} {
    %mul3A = arith.constant 2 : i32
    %mul3A_0 = arith.muli %arg1, %mul3A : i32
    %add3A = arith.addi %mul3A_0, %arg0 : i32
    %mul3A_1 = arith.constant 32 : i32
    %mul3A_2 = arith.muli %add3A, %mul3A_1 : i32
    %dma_start3A = tpu.memref_slice %arg3[%mul3A_2] : memref<1024xi32, #tpu.memory_space<hbm>> -> memref<32xi32, #tpu.memory_space<hbm>>
    %dma_start3A_3 = tpu.memref_slice %arg3[%mul3A_2] : memref<1024xi32, #tpu.memory_space<hbm>> -> memref<32xi32, #tpu.memory_space<hbm>>
    tpu.enqueue_dma source(%dma_start3A_3 : memref<32xi32, #tpu.memory_space<hbm>>) target(%arg6 : memref<32xi32, #tpu.memory_space<vmem>>) target_semaphore(%arg10 : memref<!tpu.dma_semaphore, #tpu.memory_space<semaphore_mem>>)
    %dma_start3A_4 = tpu.memref_slice %arg4[%mul3A_2] : memref<1024xi32, #tpu.memory_space<hbm>> -> memref<32xi32, #tpu.memory_space<hbm>>
    %dma_start3A_5 = tpu.memref_slice %arg4[%mul3A_2] : memref<1024xi32, #tpu.memory_space<hbm>> -> memref<32xi32, #tpu.memory_space<hbm>>
    tpu.enqueue_dma source(%dma_start3A_5 : memref<32xi32, #tpu.memory_space<hbm>>) target(%arg7 : memref<32xi32, #tpu.memory_space<vmem>>) target_semaphore(%arg11 : memref<!tpu.dma_semaphore, #tpu.memory_space<semaphore_mem>>)
    %dma_wait3A = tpu.memref_slice %arg3[%mul3A_2] : memref<1024xi32, #tpu.memory_space<hbm>> -> memref<32xi32, #tpu.memory_space<hbm>>
    %dma_wait3A_6 = tpu.memref_slice %arg3[%mul3A_2] : memref<1024xi32, #tpu.memory_space<hbm>> -> memref<32xi32, #tpu.memory_space<hbm>>
    tpu.wait_dma2 semaphore(%arg10 : memref<!tpu.dma_semaphore, #tpu.memory_space<semaphore_mem>>) src(%dma_wait3A_6 : memref<32xi32, #tpu.memory_space<hbm>>) dst(%arg6 : memref<32xi32, #tpu.memory_space<vmem>>)
    %dma_wait3A_7 = tpu.memref_slice %arg4[%mul3A_2] : memref<1024xi32, #tpu.memory_space<hbm>> -> memref<32xi32, #tpu.memory_space<hbm>>
    %dma_wait3A_8 = tpu.memref_slice %arg4[%mul3A_2] : memref<1024xi32, #tpu.memory_space<hbm>> -> memref<32xi32, #tpu.memory_space<hbm>>
    tpu.wait_dma2 semaphore(%arg11 : memref<!tpu.dma_semaphore, #tpu.memory_space<semaphore_mem>>) src(%dma_wait3A_8 : memref<32xi32, #tpu.memory_space<hbm>>) dst(%arg7 : memref<32xi32, #tpu.memory_space<vmem>>)
    %dma_start3A_9 = arith.constant 0 : i32
    %dma_start3A_10 = arith.constant 0 : i32
    %dma_start3A_11 = tpu.memref_slice %arg2[%dma_start3A_9, %dma_start3A_10] : memref<3072x1024xf32, #tpu.memory_space<hbm>> -> memref<3072x1024xf32, #tpu.memory_space<hbm>>
    tpu.enqueue_indirect_dma source(%dma_start3A_11 : memref<3072x1024xf32, #tpu.memory_space<hbm>>) target(%arg8 : memref<32x1024xf32, #tpu.memory_space<vmem>>) offsets(%arg6 : memref<32xi32, #tpu.memory_space<vmem>>) semaphore(%arg10 : memref<!tpu.dma_semaphore, #tpu.memory_space<semaphore_mem>>)
    %dma_start3A_12 = arith.constant 0 : i32
    %dma_start3A_13 = arith.constant 0 : i32
    %dma_start3A_14 = tpu.memref_slice %arg2[%dma_start3A_12, %dma_start3A_13] : memref<3072x1024xf32, #tpu.memory_space<hbm>> -> memref<3072x1024xf32, #tpu.memory_space<hbm>>
    tpu.enqueue_indirect_dma source(%dma_start3A_14 : memref<3072x1024xf32, #tpu.memory_space<hbm>>) target(%arg9 : memref<32x1024xf32, #tpu.memory_space<vmem>>) offsets(%arg7 : memref<32xi32, #tpu.memory_space<vmem>>) semaphore(%arg11 : memref<!tpu.dma_semaphore, #tpu.memory_space<semaphore_mem>>)
    %dma_wait3A_15 = arith.constant 0 : i32
    %dma_wait3A_16 = arith.constant 0 : i32
    %dma_wait3A_17 = tpu.memref_slice %arg2[%dma_wait3A_15, %dma_wait3A_16] : memref<3072x1024xf32, #tpu.memory_space<hbm>> -> memref<3072x1024xf32, #tpu.memory_space<hbm>>
    tpu.wait_indirect_dma semaphore(%arg10 : memref<!tpu.dma_semaphore, #tpu.memory_space<semaphore_mem>>) src(%dma_wait3A_17 : memref<3072x1024xf32, #tpu.memory_space<hbm>>) dst(%arg8 : memref<32x1024xf32, #tpu.memory_space<vmem>>)
    %dma_wait3A_18 = arith.constant 0 : i32
    %dma_wait3A_19 = arith.constant 0 : i32
    %dma_wait3A_20 = tpu.memref_slice %arg2[%dma_wait3A_18, %dma_wait3A_19] : memref<3072x1024xf32, #tpu.memory_space<hbm>> -> memref<3072x1024xf32, #tpu.memory_space<hbm>>
    tpu.wait_indirect_dma semaphore(%arg11 : memref<!tpu.dma_semaphore, #tpu.memory_space<semaphore_mem>>) src(%dma_wait3A_20 : memref<3072x1024xf32, #tpu.memory_space<hbm>>) dst(%arg9 : memref<32x1024xf32, #tpu.memory_space<vmem>>)
    %scan3A = arith.constant 0 : i32
    %scan3A_21 = arith.constant 32 : i32
    %scan3A_22 = arith.addi %scan3A, %scan3A_21 : i32
    %scan3A_23 = arith.constant 1 : i32
    scf.for %scan3A_33 = %scan3A to %scan3A_22 step %scan3A_23  : i32 {
      %mul3A_34 = arith.constant 1 : i32
      %mul3A_35 = arith.muli %scan3A_33, %mul3A_34 : i32
      %add3A_36 = arith.constant 0 : i32
      %add3A_37 = arith.addi %add3A_36, %mul3A_35 : i32
      %get3A = arith.index_cast %add3A_37 : i32 to index
      %get3A_38 = arith.constant 0 : index
      %get3A_39 = tpu.vector_load %arg8[%get3A, %get3A_38] {strides = array<i32>} : memref<32x1024xf32, #tpu.memory_space<vmem>>, vector<1x16xf32>,
      %get3A_40 = vector.shape_cast %get3A_39 : vector<1x16xf32> to vector<16xf32>
      %get3A_41 = arith.index_cast %add3A_37 : i32 to index
      %get3A_42 = arith.constant 0 : index
      %get3A_43 = tpu.vector_load %arg9[%get3A_41, %get3A_42] {strides = array<i32>} : memref<32x1024xf32, #tpu.memory_space<vmem>>, vector<1x16xf32>,
      %get3A_44 = vector.shape_cast %get3A_43 : vector<1x16xf32> to vector<16xf32>
      %add3A_45 = arith.addf %get3A_40, %get3A_44 : vector<16xf32>
      %swap3A = arith.index_cast %add3A_37 : i32 to index
      %swap3A_46 = arith.constant 0 : index
      %swap3A_47 = tpu.vector_load %arg8[%swap3A, %swap3A_46] {strides = array<i32>} : memref<32x1024xf32, #tpu.memory_space<vmem>>, vector<1x16xf32>,
      %swap3A_48 = vector.shape_cast %swap3A_47 : vector<1x16xf32> to vector<16xf32>
      %swap3A_49 = vector.shape_cast %add3A_45 : vector<16xf32> to vector<1x16xf32>
      tpu.vector_store %arg8[%swap3A, %swap3A_46], %swap3A_49 {strides = array<i32>} : memref<32x1024xf32, #tpu.memory_space<vmem>>, vector<1x16xf32>,
      %get3A_50 = arith.index_cast %add3A_37 : i32 to index
      %get3A_51 = arith.constant 16 : index
      %get3A_52 = tpu.vector_load %arg8[%get3A_50, %get3A_51] {strides = array<i32>} : memref<32x1024xf32, #tpu.memory_space<vmem>>, vector<1x16xf32>,
      %get3A_53 = vector.shape_cast %get3A_52 : vector<1x16xf32> to vector<16xf32>
      %get3A_54 = arith.index_cast %add3A_37 : i32 to index
      %get3A_55 = arith.constant 16 : index
      %get3A_56 = tpu.vector_load %arg9[%get3A_54, %get3A_55] {strides = array<i32>} : memref<32x1024xf32, #tpu.memory_space<vmem>>, vector<1x16xf32>,
      %get3A_57 = vector.shape_cast %get3A_56 : vector<1x16xf32> to vector<16xf32>
      %add3A_58 = arith.addf %get3A_53, %get3A_57 : vector<16xf32>
      %swap3A_59 = arith.index_cast %add3A_37 : i32 to index
      %swap3A_60 = arith.constant 16 : index
      %swap3A_61 = tpu.vector_load %arg8[%swap3A_59, %swap3A_60] {strides = array<i32>} : memref<32x1024xf32, #tpu.memory_space<vmem>>, vector<1x16xf32>,
      %swap3A_62 = vector.shape_cast %swap3A_61 : vector<1x16xf32> to vector<16xf32>
      %swap3A_63 = vector.shape_cast %add3A_58 : vector<16xf32> to vector<1x16xf32>
      tpu.vector_store %arg8[%swap3A_59, %swap3A_60], %swap3A_63 {strides = array<i32>} : memref<32x1024xf32, #tpu.memory_space<vmem>>, vector<1x16xf32>,
      %get3A_64 = arith.index_cast %add3A_37 : i32 to index
      %get3A_65 = arith.constant 32 : index
      %get3A_66 = tpu.vector_load %arg8[%get3A_64, %get3A_65] {strides = array<i32>} : memref<32x1024xf32, #tpu.memory_space<vmem>>, vector<1x16xf32>,
      %get3A_67 = vector.shape_cast %get3A_66 : vector<1x16xf32> to vector<16xf32>
      %get3A_68 = arith.index_cast %add3A_37 : i32 to index
      %get3A_69 = arith.constant 32 : index
      %get3A_70 = tpu.vector_load %arg9[%get3A_68, %get3A_69] {strides = array<i32>} : memref<32x1024xf32, #tpu.memory_space<vmem>>, vector<1x16xf32>,
      %get3A_71 = vector.shape_cast %get3A_70 : vector<1x16xf32> to vector<16xf32>
      %add3A_72 = arith.addf %get3A_67, %get3A_71 : vector<16xf32>
      %swap3A_73 = arith.index_cast %add3A_37 : i32 to index
      %swap3A_74 = arith.constant 32 : index
      %swap3A_75 = tpu.vector_load %arg8[%swap3A_73, %swap3A_74] {strides = array<i32>} : memref<32x1024xf32, #tpu.memory_space<vmem>>, vector<1x16xf32>,
      %swap3A_76 = vector.shape_cast %swap3A_75 : vector<1x16xf32> to vector<16xf32>
      %swap3A_77 = vector.shape_cast %add3A_72 : vector<16xf32> to vector<1x16xf32>
      tpu.vector_store %arg8[%swap3A_73, %swap3A_74], %swap3A_77 {strides = array<i32>} : memref<32x1024xf32, #tpu.memory_space<vmem>>, vector<1x16xf32>,
      %get3A_78 = arith.index_cast %add3A_37 : i32 to index
      %get3A_79 = arith.constant 48 : index
      %get3A_80 = tpu.vector_load %arg8[%get3A_78, %get3A_79] {strides = array<i32>} : memref<32x1024xf32, #tpu.memory_space<vmem>>, vector<1x16xf32>,
      %get3A_81 = vector.shape_cast %get3A_80 : vector<1x16xf32> to vector<16xf32>
      %get3A_82 = arith.index_cast %add3A_37 : i32 to index
      %get3A_83 = arith.constant 48 : index
      %get3A_84 = tpu.vector_load %arg9[%get3A_82, %get3A_83] {strides = array<i32>} : memref<32x1024xf32, #tpu.memory_space<vmem>>, vector<1x16xf32>,
      %get3A_85 = vector.shape_cast %get3A_84 : vector<1x16xf32> to vector<16xf32>
      %add3A_86 = arith.addf %get3A_81, %get3A_85 : vector<16xf32>
      %swap3A_87 = arith.index_cast %add3A_37 : i32 to index
      %swap3A_88 = arith.constant 48 : index
      %swap3A_89 = tpu.vector_load %arg8[%swap3A_87, %swap3A_88] {strides = array<i32>} : memref<32x1024xf32, #tpu.memory_space<vmem>>, vector<1x16xf32>,
      %swap3A_90 = vector.shape_cast %swap3A_89 : vector<1x16xf32> to vector<16xf32>
      %swap3A_91 = vector.shape_cast %add3A_86 : vector<16xf32> to vector<1x16xf32>
      tpu.vector_store %arg8[%swap3A_87, %swap3A_88], %swap3A_91 {strides = array<i32>} : memref<32x1024xf32, #tpu.memory_space<vmem>>, vector<1x16xf32>,
      %get3A_92 = arith.index_cast %add3A_37 : i32 to index
      %get3A_93 = arith.constant 64 : index
      %get3A_94 = tpu.vector_load %arg8[%get3A_92, %get3A_93] {strides = array<i32>} : memref<32x1024xf32, #tpu.memory_space<vmem>>, vector<1x16xf32>,
      %get3A_95 = vector.shape_cast %get3A_94 : vector<1x16xf32> to vector<16xf32>
      %get3A_96 = arith.index_cast %add3A_37 : i32 to index
      %get3A_97 = arith.constant 64 : index
      %get3A_98 = tpu.vector_load %arg9[%get3A_96, %get3A_97] {strides = array<i32>} : memref<32x1024xf32, #tpu.memory_space<vmem>>, vector<1x16xf32>,
      %get3A_99 = vector.shape_cast %get3A_98 : vector<1x16xf32> to vector<16xf32>
      %add3A_100 = arith.addf %get3A_95, %get3A_99 : vector<16xf32>
      %swap3A_101 = arith.index_cast %add3A_37 : i32 to index
      %swap3A_102 = arith.constant 64 : index
      %swap3A_103 = tpu.vector_load %arg8[%swap3A_101, %swap3A_102] {strides = array<i32>} : memref<32x1024xf32, #tpu.memory_space<vmem>>, vector<1x16xf32>,
      %swap3A_104 = vector.shape_cast %swap3A_103 : vector<1x16xf32> to vector<16xf32>
      %swap3A_105 = vector.shape_cast %add3A_100 : vector<16xf32> to vector<1x16xf32>
      tpu.vector_store %arg8[%swap3A_101, %swap3A_102], %swap3A_105 {strides = array<i32>} : memref<32x1024xf32, #tpu.memory_space<vmem>>, vector<1x16xf32>,
      %get3A_106 = arith.index_cast %add3A_37 : i32 to index
      %get3A_107 = arith.constant 80 : index
      %get3A_108 = tpu.vector_load %arg8[%get3A_106, %get3A_107] {strides = array<i32>} : memref<32x1024xf32, #tpu.memory_space<vmem>>, vector<1x16xf32>,
      %get3A_109 = vector.shape_cast %get3A_108 : vector<1x16xf32> to vector<16xf32>
      %get3A_110 = arith.index_cast %add3A_37 : i32 to index
      %get3A_111 = arith.constant 80 : index
      %get3A_112 = tpu.vector_load %arg9[%get3A_110, %get3A_111] {strides = array<i32>} : memref<32x1024xf32, #tpu.memory_space<vmem>>, vector<1x16xf32>,
      %get3A_113 = vector.shape_cast %get3A_112 : vector<1x16xf32> to vector<16xf32>
      %add3A_114 = arith.addf %get3A_109, %get3A_113 : vector<16xf32>
      %swap3A_115 = arith.index_cast %add3A_37 : i32 to index
      %swap3A_116 = arith.constant 80 : index
      %swap3A_117 = tpu.vector_load %arg8[%swap3A_115, %swap3A_116] {strides = array<i32>} : memref<32x1024xf32, #tpu.memory_space<vmem>>, vector<1x16xf32>,
      %swap3A_118 = vector.shape_cast %swap3A_117 : vector<1x16xf32> to vector<16xf32>
      %swap3A_119 = vector.shape_cast %add3A_114 : vector<16xf32> to vector<1x16xf32>
      tpu.vector_store %arg8[%swap3A_115, %swap3A_116], %swap3A_119 {strides = array<i32>} : memref<32x1024xf32, #tpu.memory_space<vmem>>, vector<1x16xf32>,
      %get3A_120 = arith.index_cast %add3A_37 : i32 to index
      %get3A_121 = arith.constant 96 : index
      %get3A_122 = tpu.vector_load %arg8[%get3A_120, %get3A_121] {strides = array<i32>} : memref<32x1024xf32, #tpu.memory_space<vmem>>, vector<1x16xf32>,
      %get3A_123 = vector.shape_cast %get3A_122 : vector<1x16xf32> to vector<16xf32>
      %get3A_124 = arith.index_cast %add3A_37 : i32 to index
      %get3A_125 = arith.constant 96 : index
      %get3A_126 = tpu.vector_load %arg9[%get3A_124, %get3A_125] {strides = array<i32>} : memref<32x1024xf32, #tpu.memory_space<vmem>>, vector<1x16xf32>,
      %get3A_127 = vector.shape_cast %get3A_126 : vector<1x16xf32> to vector<16xf32>
      %add3A_128 = arith.addf %get3A_123, %get3A_127 : vector<16xf32>
      %swap3A_129 = arith.index_cast %add3A_37 : i32 to index
      %swap3A_130 = arith.constant 96 : index
      %swap3A_131 = tpu.vector_load %arg8[%swap3A_129, %swap3A_130] {strides = array<i32>} : memref<32x1024xf32, #tpu.memory_space<vmem>>, vector<1x16xf32>,
      %swap3A_132 = vector.shape_cast %swap3A_131 : vector<1x16xf32> to vector<16xf32>
      %swap3A_133 = vector.shape_cast %add3A_128 : vector<16xf32> to vector<1x16xf32>
      tpu.vector_store %arg8[%swap3A_129, %swap3A_130], %swap3A_133 {strides = array<i32>} : memref<32x1024xf32, #tpu.memory_space<vmem>>, vector<1x16xf32>,
      %get3A_134 = arith.index_cast %add3A_37 : i32 to index
      %get3A_135 = arith.constant 112 : index
      %get3A_136 = tpu.vector_load %arg8[%get3A_134, %get3A_135] {strides = array<i32>} : memref<32x1024xf32, #tpu.memory_space<vmem>>, vector<1x16xf32>,
      %get3A_137 = vector.shape_cast %get3A_136 : vector<1x16xf32> to vector<16xf32>
      %get3A_138 = arith.index_cast %add3A_37 : i32 to index
      %get3A_139 = arith.constant 112 : index
      %get3A_140 = tpu.vector_load %arg9[%get3A_138, %get3A_139] {strides = array<i32>} : memref<32x1024xf32, #tpu.memory_space<vmem>>, vector<1x16xf32>,
      %get3A_141 = vector.shape_cast %get3A_140 : vector<1x16xf32> to vector<16xf32>
      %add3A_142 = arith.addf %get3A_137, %get3A_141 : vector<16xf32>
      %swap3A_143 = arith.index_cast %add3A_37 : i32 to index
      %swap3A_144 = arith.constant 112 : index
      %swap3A_145 = tpu.vector_load %arg8[%swap3A_143, %swap3A_144] {strides = array<i32>} : memref<32x1024xf32, #tpu.memory_space<vmem>>, vector<1x16xf32>,
      %swap3A_146 = vector.shape_cast %swap3A_145 : vector<1x16xf32> to vector<16xf32>
      %swap3A_147 = vector.shape_cast %add3A_142 : vector<16xf32> to vector<1x16xf32>
      tpu.vector_store %arg8[%swap3A_143, %swap3A_144], %swap3A_147 {strides = array<i32>} : memref<32x1024xf32, #tpu.memory_space<vmem>>, vector<1x16xf32>,
      %get3A_148 = arith.index_cast %add3A_37 : i32 to index
      %get3A_149 = arith.constant 128 : index
      %get3A_150 = tpu.vector_load %arg8[%get3A_148, %get3A_149] {strides = array<i32>} : memref<32x1024xf32, #tpu.memory_space<vmem>>, vector<1x16xf32>,
      %get3A_151 = vector.shape_cast %get3A_150 : vector<1x16xf32> to vector<16xf32>
      %get3A_152 = arith.index_cast %add3A_37 : i32 to index
      %get3A_153 = arith.constant 128 : index
      %get3A_154 = tpu.vector_load %arg9[%get3A_152, %get3A_153] {strides = array<i32>} : memref<32x1024xf32, #tpu.memory_space<vmem>>, vector<1x16xf32>,
      %get3A_155 = vector.shape_cast %get3A_154 : vector<1x16xf32> to vector<16xf32>
      %add3A_156 = arith.addf %get3A_151, %get3A_155 : vector<16xf32>
      %swap3A_157 = arith.index_cast %add3A_37 : i32 to index
      %swap3A_158 = arith.constant 128 : index
      %swap3A_159 = tpu.vector_load %arg8[%swap3A_157, %swap3A_158] {strides = array<i32>} : memref<32x1024xf32, #tpu.memory_space<vmem>>, vector<1x16xf32>,
      %swap3A_160 = vector.shape_cast %swap3A_159 : vector<1x16xf32> to vector<16xf32>
      %swap3A_161 = vector.shape_cast %add3A_156 : vector<16xf32> to vector<1x16xf32>
      tpu.vector_store %arg8[%swap3A_157, %swap3A_158], %swap3A_161 {strides = array<i32>} : memref<32x1024xf32, #tpu.memory_space<vmem>>, vector<1x16xf32>,
      %get3A_162 = arith.index_cast %add3A_37 : i32 to index
      %get3A_163 = arith.constant 144 : index
      %get3A_164 = tpu.vector_load %arg8[%get3A_162, %get3A_163] {strides = array<i32>} : memref<32x1024xf32, #tpu.memory_space<vmem>>, vector<1x16xf32>,
      %get3A_165 = vector.shape_cast %get3A_164 : vector<1x16xf32> to vector<16xf32>
      %get3A_166 = arith.index_cast %add3A_37 : i32 to index
      %get3A_167 = arith.constant 144 : index
      %get3A_168 = tpu.vector_load %arg9[%get3A_166, %get3A_167] {strides = array<i32>} : memref<32x1024xf32, #tpu.memory_space<vmem>>, vector<1x16xf32>,
      %get3A_169 = vector.shape_cast %get3A_168 : vector<1x16xf32> to vector<16xf32>
      %add3A_170 = arith.addf %get3A_165, %get3A_169 : vector<16xf32>
      %swap3A_171 = arith.index_cast %add3A_37 : i32 to index
      %swap3A_172 = arith.constant 144 : index
      %swap3A_173 = tpu.vector_load %arg8[%swap3A_171, %swap3A_172] {strides = array<i32>} : memref<32x1024xf32, #tpu.memory_space<vmem>>, vector<1x16xf32>,
      %swap3A_174 = vector.shape_cast %swap3A_173 : vector<1x16xf32> to vector<16xf32>
      %swap3A_175 = vector.shape_cast %add3A_170 : vector<16xf32> to vector<1x16xf32>
      tpu.vector_store %arg8[%swap3A_171, %swap3A_172], %swap3A_175 {strides = array<i32>} : memref<32x1024xf32, #tpu.memory_space<vmem>>, vector<1x16xf32>,
      %get3A_176 = arith.index_cast %add3A_37 : i32 to index
      %get3A_177 = arith.constant 160 : index
      %get3A_178 = tpu.vector_load %arg8[%get3A_176, %get3A_177] {strides = array<i32>} : memref<32x1024xf32, #tpu.memory_space<vmem>>, vector<1x16xf32>,
      %get3A_179 = vector.shape_cast %get3A_178 : vector<1x16xf32> to vector<16xf32>
      %get3A_180 = arith.index_cast %add3A_37 : i32 to index
      %get3A_181 = arith.constant 160 : index
      %get3A_182 = tpu.vector_load %arg9[%get3A_180, %get3A_181] {strides = array<i32>} : memref<32x1024xf32, #tpu.memory_space<vmem>>, vector<1x16xf32>,
      %get3A_183 = vector.shape_cast %get3A_182 : vector<1x16xf32> to vector<16xf32>
      %add3A_184 = arith.addf %get3A_179, %get3A_183 : vector<16xf32>
      %swap3A_185 = arith.index_cast %add3A_37 : i32 to index
      %swap3A_186 = arith.constant 160 : index
      %swap3A_187 = tpu.vector_load %arg8[%swap3A_185, %swap3A_186] {strides = array<i32>} : memref<32x1024xf32, #tpu.memory_space<vmem>>, vector<1x16xf32>,
      %swap3A_188 = vector.shape_cast %swap3A_187 : vector<1x16xf32> to vector<16xf32>
      %swap3A_189 = vector.shape_cast %add3A_184 : vector<16xf32> to vector<1x16xf32>
      tpu.vector_store %arg8[%swap3A_185, %swap3A_186], %swap3A_189 {strides = array<i32>} : memref<32x1024xf32, #tpu.memory_space<vmem>>, vector<1x16xf32>,
      %get3A_190 = arith.index_cast %add3A_37 : i32 to index
      %get3A_191 = arith.constant 176 : index
      %get3A_192 = tpu.vector_load %arg8[%get3A_190, %get3A_191] {strides = array<i32>} : memref<32x1024xf32, #tpu.memory_space<vmem>>, vector<1x16xf32>,
      %get3A_193 = vector.shape_cast %get3A_192 : vector<1x16xf32> to vector<16xf32>
      %get3A_194 = arith.index_cast %add3A_37 : i32 to index
      %get3A_195 = arith.constant 176 : index
      %get3A_196 = tpu.vector_load %arg9[%get3A_194, %get3A_195] {strides = array<i32>} : memref<32x1024xf32, #tpu.memory_space<vmem>>, vector<1x16xf32>,
      %get3A_197 = vector.shape_cast %get3A_196 : vector<1x16xf32> to vector<16xf32>
      %add3A_198 = arith.addf %get3A_193, %get3A_197 : vector<16xf32>
      %swap3A_199 = arith.index_cast %add3A_37 : i32 to index
      %swap3A_200 = arith.constant 176 : index
      %swap3A_201 = tpu.vector_load %arg8[%swap3A_199, %swap3A_200] {strides = array<i32>} : memref<32x1024xf32, #tpu.memory_space<vmem>>, vector<1x16xf32>,
      %swap3A_202 = vector.shape_cast %swap3A_201 : vector<1x16xf32> to vector<16xf32>
      %swap3A_203 = vector.shape_cast %add3A_198 : vector<16xf32> to vector<1x16xf32>
      tpu.vector_store %arg8[%swap3A_199, %swap3A_200], %swap3A_203 {strides = array<i32>} : memref<32x1024xf32, #tpu.memory_space<vmem>>, vector<1x16xf32>,
      %get3A_204 = arith.index_cast %add3A_37 : i32 to index
      %get3A_205 = arith.constant 192 : index
      %get3A_206 = tpu.vector_load %arg8[%get3A_204, %get3A_205] {strides = array<i32>} : memref<32x1024xf32, #tpu.memory_space<vmem>>, vector<1x16xf32>,
      %get3A_207 = vector.shape_cast %get3A_206 : vector<1x16xf32> to vector<16xf32>
      %get3A_208 = arith.index_cast %add3A_37 : i32 to index
      %get3A_209 = arith.constant 192 : index
      %get3A_210 = tpu.vector_load %arg9[%get3A_208, %get3A_209] {strides = array<i32>} : memref<32x1024xf32, #tpu.memory_space<vmem>>, vector<1x16xf32>,
      %get3A_211 = vector.shape_cast %get3A_210 : vector<1x16xf32> to vector<16xf32>
      %add3A_212 = arith.addf %get3A_207, %get3A_211 : vector<16xf32>
      %swap3A_213 = arith.index_cast %add3A_37 : i32 to index
      %swap3A_214 = arith.constant 192 : index
      %swap3A_215 = tpu.vector_load %arg8[%swap3A_213, %swap3A_214] {strides = array<i32>} : memref<32x1024xf32, #tpu.memory_space<vmem>>, vector<1x16xf32>,
      %swap3A_216 = vector.shape_cast %swap3A_215 : vector<1x16xf32> to vector<16xf32>
      %swap3A_217 = vector.shape_cast %add3A_212 : vector<16xf32> to vector<1x16xf32>
      tpu.vector_store %arg8[%swap3A_213, %swap3A_214], %swap3A_217 {strides = array<i32>} : memref<32x1024xf32, #tpu.memory_space<vmem>>, vector<1x16xf32>,
      %get3A_218 = arith.index_cast %add3A_37 : i32 to index
      %get3A_219 = arith.constant 208 : index
      %get3A_220 = tpu.vector_load %arg8[%get3A_218, %get3A_219] {strides = array<i32>} : memref<32x1024xf32, #tpu.memory_space<vmem>>, vector<1x16xf32>,
      %get3A_221 = vector.shape_cast %get3A_220 : vector<1x16xf32> to vector<16xf32>
      %get3A_222 = arith.index_cast %add3A_37 : i32 to index
      %get3A_223 = arith.constant 208 : index
      %get3A_224 = tpu.vector_load %arg9[%get3A_222, %get3A_223] {strides = array<i32>} : memref<32x1024xf32, #tpu.memory_space<vmem>>, vector<1x16xf32>,
      %get3A_225 = vector.shape_cast %get3A_224 : vector<1x16xf32> to vector<16xf32>
      %add3A_226 = arith.addf %get3A_221, %get3A_225 : vector<16xf32>
      %swap3A_227 = arith.index_cast %add3A_37 : i32 to index
      %swap3A_228 = arith.constant 208 : index
      %swap3A_229 = tpu.vector_load %arg8[%swap3A_227, %swap3A_228] {strides = array<i32>} : memref<32x1024xf32, #tpu.memory_space<vmem>>, vector<1x16xf32>,
      %swap3A_230 = vector.shape_cast %swap3A_229 : vector<1x16xf32> to vector<16xf32>
      %swap3A_231 = vector.shape_cast %add3A_226 : vector<16xf32> to vector<1x16xf32>
      tpu.vector_store %arg8[%swap3A_227, %swap3A_228], %swap3A_231 {strides = array<i32>} : memref<32x1024xf32, #tpu.memory_space<vmem>>, vector<1x16xf32>,
      %get3A_232 = arith.index_cast %add3A_37 : i32 to index
      %get3A_233 = arith.constant 224 : index
      %get3A_234 = tpu.vector_load %arg8[%get3A_232, %get3A_233] {strides = array<i32>} : memref<32x1024xf32, #tpu.memory_space<vmem>>, vector<1x16xf32>,
      %get3A_235 = vector.shape_cast %get3A_234 : vector<1x16xf32> to vector<16xf32>
      %get3A_236 = arith.index_cast %add3A_37 : i32 to index
      %get3A_237 = arith.constant 224 : index
      %get3A_238 = tpu.vector_load %arg9[%get3A_236, %get3A_237] {strides = array<i32>} : memref<32x1024xf32, #tpu.memory_space<vmem>>, vector<1x16xf32>,
      %get3A_239 = vector.shape_cast %get3A_238 : vector<1x16xf32> to vector<16xf32>
      %add3A_240 = arith.addf %get3A_235, %get3A_239 : vector<16xf32>
      %swap3A_241 = arith.index_cast %add3A_37 : i32 to index
      %swap3A_242 = arith.constant 224 : index
      %swap3A_243 = tpu.vector_load %arg8[%swap3A_241, %swap3A_242] {strides = array<i32>} : memref<32x1024xf32, #tpu.memory_space<vmem>>, vector<1x16xf32>,
      %swap3A_244 = vector.shape_cast %swap3A_243 : vector<1x16xf32> to vector<16xf32>
      %swap3A_245 = vector.shape_cast %add3A_240 : vector<16xf32> to vector<1x16xf32>
      tpu.vector_store %arg8[%swap3A_241, %swap3A_242], %swap3A_245 {strides = array<i32>} : memref<32x1024xf32, #tpu.memory_space<vmem>>, vector<1x16xf32>,
      %get3A_246 = arith.index_cast %add3A_37 : i32 to index
      %get3A_247 = arith.constant 240 : index
      %get3A_248 = tpu.vector_load %arg8[%get3A_246, %get3A_247] {strides = array<i32>} : memref<32x1024xf32, #tpu.memory_space<vmem>>, vector<1x16xf32>,
      %get3A_249 = vector.shape_cast %get3A_248 : vector<1x16xf32> to vector<16xf32>
      %get3A_250 = arith.index_cast %add3A_37 : i32 to index
      %get3A_251 = arith.constant 240 : index
      %get3A_252 = tpu.vector_load %arg9[%get3A_250, %get3A_251] {strides = array<i32>} : memref<32x1024xf32, #tpu.memory_space<vmem>>, vector<1x16xf32>,
      %get3A_253 = vector.shape_cast %get3A_252 : vector<1x16xf32> to vector<16xf32>
      %add3A_254 = arith.addf %get3A_249, %get3A_253 : vector<16xf32>
      %swap3A_255 = arith.index_cast %add3A_37 : i32 to index
      %swap3A_256 = arith.constant 240 : index
      %swap3A_257 = tpu.vector_load %arg8[%swap3A_255, %swap3A_256] {strides = array<i32>} : memref<32x1024xf32, #tpu.memory_space<vmem>>, vector<1x16xf32>,
      %swap3A_258 = vector.shape_cast %swap3A_257 : vector<1x16xf32> to vector<16xf32>
      %swap3A_259 = vector.shape_cast %add3A_254 : vector<16xf32> to vector<1x16xf32>
      tpu.vector_store %arg8[%swap3A_255, %swap3A_256], %swap3A_259 {strides = array<i32>} : memref<32x1024xf32, #tpu.memory_space<vmem>>, vector<1x16xf32>,
      %get3A_260 = arith.index_cast %add3A_37 : i32 to index
      %get3A_261 = arith.constant 256 : index
      %get3A_262 = tpu.vector_load %arg8[%get3A_260, %get3A_261] {strides = array<i32>} : memref<32x1024xf32, #tpu.memory_space<vmem>>, vector<1x16xf32>,
      %get3A_263 = vector.shape_cast %get3A_262 : vector<1x16xf32> to vector<16xf32>
      %get3A_264 = arith.index_cast %add3A_37 : i32 to index
      %get3A_265 = arith.constant 256 : index
      %get3A_266 = tpu.vector_load %arg9[%get3A_264, %get3A_265] {strides = array<i32>} : memref<32x1024xf32, #tpu.memory_space<vmem>>, vector<1x16xf32>,
      %get3A_267 = vector.shape_cast %get3A_266 : vector<1x16xf32> to vector<16xf32>
      %add3A_268 = arith.addf %get3A_263, %get3A_267 : vector<16xf32>
      %swap3A_269 = arith.index_cast %add3A_37 : i32 to index
      %swap3A_270 = arith.constant 256 : index
      %swap3A_271 = tpu.vector_load %arg8[%swap3A_269, %swap3A_270] {strides = array<i32>} : memref<32x1024xf32, #tpu.memory_space<vmem>>, vector<1x16xf32>,
      %swap3A_272 = vector.shape_cast %swap3A_271 : vector<1x16xf32> to vector<16xf32>
      %swap3A_273 = vector.shape_cast %add3A_268 : vector<16xf32> to vector<1x16xf32>
      tpu.vector_store %arg8[%swap3A_269, %swap3A_270], %swap3A_273 {strides = array<i32>} : memref<32x1024xf32, #tpu.memory_space<vmem>>, vector<1x16xf32>,
      %get3A_274 = arith.index_cast %add3A_37 : i32 to index
      %get3A_275 = arith.constant 272 : index
      %get3A_276 = tpu.vector_load %arg8[%get3A_274, %get3A_275] {strides = array<i32>} : memref<32x1024xf32, #tpu.memory_space<vmem>>, vector<1x16xf32>,
      %get3A_277 = vector.shape_cast %get3A_276 : vector<1x16xf32> to vector<16xf32>
      %get3A_278 = arith.index_cast %add3A_37 : i32 to index
      %get3A_279 = arith.constant 272 : index
      %get3A_280 = tpu.vector_load %arg9[%get3A_278, %get3A_279] {strides = array<i32>} : memref<32x1024xf32, #tpu.memory_space<vmem>>, vector<1x16xf32>,
      %get3A_281 = vector.shape_cast %get3A_280 : vector<1x16xf32> to vector<16xf32>
      %add3A_282 = arith.addf %get3A_277, %get3A_281 : vector<16xf32>
      %swap3A_283 = arith.index_cast %add3A_37 : i32 to index
      %swap3A_284 = arith.constant 272 : index
      %swap3A_285 = tpu.vector_load %arg8[%swap3A_283, %swap3A_284] {strides = array<i32>} : memref<32x1024xf32, #tpu.memory_space<vmem>>, vector<1x16xf32>,
      %swap3A_286 = vector.shape_cast %swap3A_285 : vector<1x16xf32> to vector<16xf32>
      %swap3A_287 = vector.shape_cast %add3A_282 : vector<16xf32> to vector<1x16xf32>
      tpu.vector_store %arg8[%swap3A_283, %swap3A_284], %swap3A_287 {strides = array<i32>} : memref<32x1024xf32, #tpu.memory_space<vmem>>, vector<1x16xf32>,
      %get3A_288 = arith.index_cast %add3A_37 : i32 to index
      %get3A_289 = arith.constant 288 : index
      %get3A_290 = tpu.vector_load %arg8[%get3A_288, %get3A_289] {strides = array<i32>} : memref<32x1024xf32, #tpu.memory_space<vmem>>, vector<1x16xf32>,
      %get3A_291 = vector.shape_cast %get3A_290 : vector<1x16xf32> to vector<16xf32>
      %get3A_292 = arith.index_cast %add3A_37 : i32 to index
      %get3A_293 = arith.constant 288 : index
      %get3A_294 = tpu.vector_load %arg9[%get3A_292, %get3A_293] {strides = array<i32>} : memref<32x1024xf32, #tpu.memory_space<vmem>>, vector<1x16xf32>,
      %get3A_295 = vector.shape_cast %get3A_294 : vector<1x16xf32> to vector<16xf32>
      %add3A_296 = arith.addf %get3A_291, %get3A_295 : vector<16xf32>
      %swap3A_297 = arith.index_cast %add3A_37 : i32 to index
      %swap3A_298 = arith.constant 288 : index
      %swap3A_299 = tpu.vector_load %arg8[%swap3A_297, %swap3A_298] {strides = array<i32>} : memref<32x1024xf32, #tpu.memory_space<vmem>>, vector<1x16xf32>,
      %swap3A_300 = vector.shape_cast %swap3A_299 : vector<1x16xf32> to vector<16xf32>
      %swap3A_301 = vector.shape_cast %add3A_296 : vector<16xf32> to vector<1x16xf32>
      tpu.vector_store %arg8[%swap3A_297, %swap3A_298], %swap3A_301 {strides = array<i32>} : memref<32x1024xf32, #tpu.memory_space<vmem>>, vector<1x16xf32>,
      %get3A_302 = arith.index_cast %add3A_37 : i32 to index
      %get3A_303 = arith.constant 304 : index
      %get3A_304 = tpu.vector_load %arg8[%get3A_302, %get3A_303] {strides = array<i32>} : memref<32x1024xf32, #tpu.memory_space<vmem>>, vector<1x16xf32>,
      %get3A_305 = vector.shape_cast %get3A_304 : vector<1x16xf32> to vector<16xf32>
      %get3A_306 = arith.index_cast %add3A_37 : i32 to index
      %get3A_307 = arith.constant 304 : index
      %get3A_308 = tpu.vector_load %arg9[%get3A_306, %get3A_307] {strides = array<i32>} : memref<32x1024xf32, #tpu.memory_space<vmem>>, vector<1x16xf32>,
      %get3A_309 = vector.shape_cast %get3A_308 : vector<1x16xf32> to vector<16xf32>
      %add3A_310 = arith.addf %get3A_305, %get3A_309 : vector<16xf32>
      %swap3A_311 = arith.index_cast %add3A_37 : i32 to index
      %swap3A_312 = arith.constant 304 : index
      %swap3A_313 = tpu.vector_load %arg8[%swap3A_311, %swap3A_312] {strides = array<i32>} : memref<32x1024xf32, #tpu.memory_space<vmem>>, vector<1x16xf32>,
      %swap3A_314 = vector.shape_cast %swap3A_313 : vector<1x16xf32> to vector<16xf32>
      %swap3A_315 = vector.shape_cast %add3A_310 : vector<16xf32> to vector<1x16xf32>
      tpu.vector_store %arg8[%swap3A_311, %swap3A_312], %swap3A_315 {strides = array<i32>} : memref<32x1024xf32, #tpu.memory_space<vmem>>, vector<1x16xf32>,
      %get3A_316 = arith.index_cast %add3A_37 : i32 to index
      %get3A_317 = arith.constant 320 : index
      %get3A_318 = tpu.vector_load %arg8[%get3A_316, %get3A_317] {strides = array<i32>} : memref<32x1024xf32, #tpu.memory_space<vmem>>, vector<1x16xf32>,
      %get3A_319 = vector.shape_cast %get3A_318 : vector<1x16xf32> to vector<16xf32>
      %get3A_320 = arith.index_cast %add3A_37 : i32 to index
      %get3A_321 = arith.constant 320 : index
      %get3A_322 = tpu.vector_load %arg9[%get3A_320, %get3A_321] {strides = array<i32>} : memref<32x1024xf32, #tpu.memory_space<vmem>>, vector<1x16xf32>,
      %get3A_323 = vector.shape_cast %get3A_322 : vector<1x16xf32> to vector<16xf32>
      %add3A_324 = arith.addf %get3A_319, %get3A_323 : vector<16xf32>
      %swap3A_325 = arith.index_cast %add3A_37 : i32 to index
      %swap3A_326 = arith.constant 320 : index
      %swap3A_327 = tpu.vector_load %arg8[%swap3A_325, %swap3A_326] {strides = array<i32>} : memref<32x1024xf32, #tpu.memory_space<vmem>>, vector<1x16xf32>,
      %swap3A_328 = vector.shape_cast %swap3A_327 : vector<1x16xf32> to vector<16xf32>
      %swap3A_329 = vector.shape_cast %add3A_324 : vector<16xf32> to vector<1x16xf32>
      tpu.vector_store %arg8[%swap3A_325, %swap3A_326], %swap3A_329 {strides = array<i32>} : memref<32x1024xf32, #tpu.memory_space<vmem>>, vector<1x16xf32>,
      %get3A_330 = arith.index_cast %add3A_37 : i32 to index
      %get3A_331 = arith.constant 336 : index
      %get3A_332 = tpu.vector_load %arg8[%get3A_330, %get3A_331] {strides = array<i32>} : memref<32x1024xf32, #tpu.memory_space<vmem>>, vector<1x16xf32>,
      %get3A_333 = vector.shape_cast %get3A_332 : vector<1x16xf32> to vector<16xf32>
      %get3A_334 = arith.index_cast %add3A_37 : i32 to index
      %get3A_335 = arith.constant 336 : index
      %get3A_336 = tpu.vector_load %arg9[%get3A_334, %get3A_335] {strides = array<i32>} : memref<32x1024xf32, #tpu.memory_space<vmem>>, vector<1x16xf32>,
      %get3A_337 = vector.shape_cast %get3A_336 : vector<1x16xf32> to vector<16xf32>
      %add3A_338 = arith.addf %get3A_333, %get3A_337 : vector<16xf32>
      %swap3A_339 = arith.index_cast %add3A_37 : i32 to index
      %swap3A_340 = arith.constant 336 : index
      %swap3A_341 = tpu.vector_load %arg8[%swap3A_339, %swap3A_340] {strides = array<i32>} : memref<32x1024xf32, #tpu.memory_space<vmem>>, vector<1x16xf32>,
      %swap3A_342 = vector.shape_cast %swap3A_341 : vector<1x16xf32> to vector<16xf32>
      %swap3A_343 = vector.shape_cast %add3A_338 : vector<16xf32> to vector<1x16xf32>
      tpu.vector_store %arg8[%swap3A_339, %swap3A_340], %swap3A_343 {strides = array<i32>} : memref<32x1024xf32, #tpu.memory_space<vmem>>, vector<1x16xf32>,
      %get3A_344 = arith.index_cast %add3A_37 : i32 to index
      %get3A_345 = arith.constant 352 : index
      %get3A_346 = tpu.vector_load %arg8[%get3A_344, %get3A_345] {strides = array<i32>} : memref<32x1024xf32, #tpu.memory_space<vmem>>, vector<1x16xf32>,
      %get3A_347 = vector.shape_cast %get3A_346 : vector<1x16xf32> to vector<16xf32>
      %get3A_348 = arith.index_cast %add3A_37 : i32 to index
      %get3A_349 = arith.constant 352 : index
      %get3A_350 = tpu.vector_load %arg9[%get3A_348, %get3A_349] {strides = array<i32>} : memref<32x1024xf32, #tpu.memory_space<vmem>>, vector<1x16xf32>,
      %get3A_351 = vector.shape_cast %get3A_350 : vector<1x16xf32> to vector<16xf32>
      %add3A_352 = arith.addf %get3A_347, %get3A_351 : vector<16xf32>
      %swap3A_353 = arith.index_cast %add3A_37 : i32 to index
      %swap3A_354 = arith.constant 352 : index
      %swap3A_355 = tpu.vector_load %arg8[%swap3A_353, %swap3A_354] {strides = array<i32>} : memref<32x1024xf32, #tpu.memory_space<vmem>>, vector<1x16xf32>,
      %swap3A_356 = vector.shape_cast %swap3A_355 : vector<1x16xf32> to vector<16xf32>
      %swap3A_357 = vector.shape_cast %add3A_352 : vector<16xf32> to vector<1x16xf32>
      tpu.vector_store %arg8[%swap3A_353, %swap3A_354], %swap3A_357 {strides = array<i32>} : memref<32x1024xf32, #tpu.memory_space<vmem>>, vector<1x16xf32>,
      %get3A_358 = arith.index_cast %add3A_37 : i32 to index
      %get3A_359 = arith.constant 368 : index
      %get3A_360 = tpu.vector_load %arg8[%get3A_358, %get3A_359] {strides = array<i32>} : memref<32x1024xf32, #tpu.memory_space<vmem>>, vector<1x16xf32>,
      %get3A_361 = vector.shape_cast %get3A_360 : vector<1x16xf32> to vector<16xf32>
      %get3A_362 = arith.index_cast %add3A_37 : i32 to index
      %get3A_363 = arith.constant 368 : index
      %get3A_364 = tpu.vector_load %arg9[%get3A_362, %get3A_363] {strides = array<i32>} : memref<32x1024xf32, #tpu.memory_space<vmem>>, vector<1x16xf32>,
      %get3A_365 = vector.shape_cast %get3A_364 : vector<1x16xf32> to vector<16xf32>
      %add3A_366 = arith.addf %get3A_361, %get3A_365 : vector<16xf32>
      %swap3A_367 = arith.index_cast %add3A_37 : i32 to index
      %swap3A_368 = arith.constant 368 : index
      %swap3A_369 = tpu.vector_load %arg8[%swap3A_367, %swap3A_368] {strides = array<i32>} : memref<32x1024xf32, #tpu.memory_space<vmem>>, vector<1x16xf32>,
      %swap3A_370 = vector.shape_cast %swap3A_369 : vector<1x16xf32> to vector<16xf32>
      %swap3A_371 = vector.shape_cast %add3A_366 : vector<16xf32> to vector<1x16xf32>
      tpu.vector_store %arg8[%swap3A_367, %swap3A_368], %swap3A_371 {strides = array<i32>} : memref<32x1024xf32, #tpu.memory_space<vmem>>, vector<1x16xf32>,
      %get3A_372 = arith.index_cast %add3A_37 : i32 to index
      %get3A_373 = arith.constant 384 : index
      %get3A_374 = tpu.vector_load %arg8[%get3A_372, %get3A_373] {strides = array<i32>} : memref<32x1024xf32, #tpu.memory_space<vmem>>, vector<1x16xf32>,
      %get3A_375 = vector.shape_cast %get3A_374 : vector<1x16xf32> to vector<16xf32>
      %get3A_376 = arith.index_cast %add3A_37 : i32 to index
      %get3A_377 = arith.constant 384 : index
      %get3A_378 = tpu.vector_load %arg9[%get3A_376, %get3A_377] {strides = array<i32>} : memref<32x1024xf32, #tpu.memory_space<vmem>>, vector<1x16xf32>,
      %get3A_379 = vector.shape_cast %get3A_378 : vector<1x16xf32> to vector<16xf32>
      %add3A_380 = arith.addf %get3A_375, %get3A_379 : vector<16xf32>
      %swap3A_381 = arith.index_cast %add3A_37 : i32 to index
      %swap3A_382 = arith.constant 384 : index
      %swap3A_383 = tpu.vector_load %arg8[%swap3A_381, %swap3A_382] {strides = array<i32>} : memref<32x1024xf32, #tpu.memory_space<vmem>>, vector<1x16xf32>,
      %swap3A_384 = vector.shape_cast %swap3A_383 : vector<1x16xf32> to vector<16xf32>
      %swap3A_385 = vector.shape_cast %add3A_380 : vector<16xf32> to vector<1x16xf32>
      tpu.vector_store %arg8[%swap3A_381, %swap3A_382], %swap3A_385 {strides = array<i32>} : memref<32x1024xf32, #tpu.memory_space<vmem>>, vector<1x16xf32>,
      %get3A_386 = arith.index_cast %add3A_37 : i32 to index
      %get3A_387 = arith.constant 400 : index
      %get3A_388 = tpu.vector_load %arg8[%get3A_386, %get3A_387] {strides = array<i32>} : memref<32x1024xf32, #tpu.memory_space<vmem>>, vector<1x16xf32>,
      %get3A_389 = vector.shape_cast %get3A_388 : vector<1x16xf32> to vector<16xf32>
      %get3A_390 = arith.index_cast %add3A_37 : i32 to index
      %get3A_391 = arith.constant 400 : index
      %get3A_392 = tpu.vector_load %arg9[%get3A_390, %get3A_391] {strides = array<i32>} : memref<32x1024xf32, #tpu.memory_space<vmem>>, vector<1x16xf32>,
      %get3A_393 = vector.shape_cast %get3A_392 : vector<1x16xf32> to vector<16xf32>
      %add3A_394 = arith.addf %get3A_389, %get3A_393 : vector<16xf32>
      %swap3A_395 = arith.index_cast %add3A_37 : i32 to index
      %swap3A_396 = arith.constant 400 : index
      %swap3A_397 = tpu.vector_load %arg8[%swap3A_395, %swap3A_396] {strides = array<i32>} : memref<32x1024xf32, #tpu.memory_space<vmem>>, vector<1x16xf32>,
      %swap3A_398 = vector.shape_cast %swap3A_397 : vector<1x16xf32> to vector<16xf32>
      %swap3A_399 = vector.shape_cast %add3A_394 : vector<16xf32> to vector<1x16xf32>
      tpu.vector_store %arg8[%swap3A_395, %swap3A_396], %swap3A_399 {strides = array<i32>} : memref<32x1024xf32, #tpu.memory_space<vmem>>, vector<1x16xf32>,
      %get3A_400 = arith.index_cast %add3A_37 : i32 to index
      %get3A_401 = arith.constant 416 : index
      %get3A_402 = tpu.vector_load %arg8[%get3A_400, %get3A_401] {strides = array<i32>} : memref<32x1024xf32, #tpu.memory_space<vmem>>, vector<1x16xf32>,
      %get3A_403 = vector.shape_cast %get3A_402 : vector<1x16xf32> to vector<16xf32>
      %get3A_404 = arith.index_cast %add3A_37 : i32 to index
      %get3A_405 = arith.constant 416 : index
      %get3A_406 = tpu.vector_load %arg9[%get3A_404, %get3A_405] {strides = array<i32>} : memref<32x1024xf32, #tpu.memory_space<vmem>>, vector<1x16xf32>,
      %get3A_407 = vector.shape_cast %get3A_406 : vector<1x16xf32> to vector<16xf32>
      %add3A_408 = arith.addf %get3A_403, %get3A_407 : vector<16xf32>
      %swap3A_409 = arith.index_cast %add3A_37 : i32 to index
      %swap3A_410 = arith.constant 416 : index
      %swap3A_411 = tpu.vector_load %arg8[%swap3A_409, %swap3A_410] {strides = array<i32>} : memref<32x1024xf32, #tpu.memory_space<vmem>>, vector<1x16xf32>,
      %swap3A_412 = vector.shape_cast %swap3A_411 : vector<1x16xf32> to vector<16xf32>
      %swap3A_413 = vector.shape_cast %add3A_408 : vector<16xf32> to vector<1x16xf32>
      tpu.vector_store %arg8[%swap3A_409, %swap3A_410], %swap3A_413 {strides = array<i32>} : memref<32x1024xf32, #tpu.memory_space<vmem>>, vector<1x16xf32>,
      %get3A_414 = arith.index_cast %add3A_37 : i32 to index
      %get3A_415 = arith.constant 432 : index
      %get3A_416 = tpu.vector_load %arg8[%get3A_414, %get3A_415] {strides = array<i32>} : memref<32x1024xf32, #tpu.memory_space<vmem>>, vector<1x16xf32>,
      %get3A_417 = vector.shape_cast %get3A_416 : vector<1x16xf32> to vector<16xf32>
      %get3A_418 = arith.index_cast %add3A_37 : i32 to index
      %get3A_419 = arith.constant 432 : index
      %get3A_420 = tpu.vector_load %arg9[%get3A_418, %get3A_419] {strides = array<i32>} : memref<32x1024xf32, #tpu.memory_space<vmem>>, vector<1x16xf32>,
      %get3A_421 = vector.shape_cast %get3A_420 : vector<1x16xf32> to vector<16xf32>
      %add3A_422 = arith.addf %get3A_417, %get3A_421 : vector<16xf32>
      %swap3A_423 = arith.index_cast %add3A_37 : i32 to index
      %swap3A_424 = arith.constant 432 : index
      %swap3A_425 = tpu.vector_load %arg8[%swap3A_423, %swap3A_424] {strides = array<i32>} : memref<32x1024xf32, #tpu.memory_space<vmem>>, vector<1x16xf32>,
      %swap3A_426 = vector.shape_cast %swap3A_425 : vector<1x16xf32> to vector<16xf32>
      %swap3A_427 = vector.shape_cast %add3A_422 : vector<16xf32> to vector<1x16xf32>
      tpu.vector_store %arg8[%swap3A_423, %swap3A_424], %swap3A_427 {strides = array<i32>} : memref<32x1024xf32, #tpu.memory_space<vmem>>, vector<1x16xf32>,
      %get3A_428 = arith.index_cast %add3A_37 : i32 to index
      %get3A_429 = arith.constant 448 : index
      %get3A_430 = tpu.vector_load %arg8[%get3A_428, %get3A_429] {strides = array<i32>} : memref<32x1024xf32, #tpu.memory_space<vmem>>, vector<1x16xf32>,
      %get3A_431 = vector.shape_cast %get3A_430 : vector<1x16xf32> to vector<16xf32>
      %get3A_432 = arith.index_cast %add3A_37 : i32 to index
      %get3A_433 = arith.constant 448 : index
      %get3A_434 = tpu.vector_load %arg9[%get3A_432, %get3A_433] {strides = array<i32>} : memref<32x1024xf32, #tpu.memory_space<vmem>>, vector<1x16xf32>,
      %get3A_435 = vector.shape_cast %get3A_434 : vector<1x16xf32> to vector<16xf32>
      %add3A_436 = arith.addf %get3A_431, %get3A_435 : vector<16xf32>
      %swap3A_437 = arith.index_cast %add3A_37 : i32 to index
      %swap3A_438 = arith.constant 448 : index
      %swap3A_439 = tpu.vector_load %arg8[%swap3A_437, %swap3A_438] {strides = array<i32>} : memref<32x1024xf32, #tpu.memory_space<vmem>>, vector<1x16xf32>,
      %swap3A_440 = vector.shape_cast %swap3A_439 : vector<1x16xf32> to vector<16xf32>
      %swap3A_441 = vector.shape_cast %add3A_436 : vector<16xf32> to vector<1x16xf32>
      tpu.vector_store %arg8[%swap3A_437, %swap3A_438], %swap3A_441 {strides = array<i32>} : memref<32x1024xf32, #tpu.memory_space<vmem>>, vector<1x16xf32>,
      %get3A_442 = arith.index_cast %add3A_37 : i32 to index
      %get3A_443 = arith.constant 464 : index
      %get3A_444 = tpu.vector_load %arg8[%get3A_442, %get3A_443] {strides = array<i32>} : memref<32x1024xf32, #tpu.memory_space<vmem>>, vector<1x16xf32>,
      %get3A_445 = vector.shape_cast %get3A_444 : vector<1x16xf32> to vector<16xf32>
      %get3A_446 = arith.index_cast %add3A_37 : i32 to index
      %get3A_447 = arith.constant 464 : index
      %get3A_448 = tpu.vector_load %arg9[%get3A_446, %get3A_447] {strides = array<i32>} : memref<32x1024xf32, #tpu.memory_space<vmem>>, vector<1x16xf32>,
      %get3A_449 = vector.shape_cast %get3A_448 : vector<1x16xf32> to vector<16xf32>
      %add3A_450 = arith.addf %get3A_445, %get3A_449 : vector<16xf32>
      %swap3A_451 = arith.index_cast %add3A_37 : i32 to index
      %swap3A_452 = arith.constant 464 : index
      %swap3A_453 = tpu.vector_load %arg8[%swap3A_451, %swap3A_452] {strides = array<i32>} : memref<32x1024xf32, #tpu.memory_space<vmem>>, vector<1x16xf32>,
      %swap3A_454 = vector.shape_cast %swap3A_453 : vector<1x16xf32> to vector<16xf32>
      %swap3A_455 = vector.shape_cast %add3A_450 : vector<16xf32> to vector<1x16xf32>
      tpu.vector_store %arg8[%swap3A_451, %swap3A_452], %swap3A_455 {strides = array<i32>} : memref<32x1024xf32, #tpu.memory_space<vmem>>, vector<1x16xf32>,
      %get3A_456 = arith.index_cast %add3A_37 : i32 to index
      %get3A_457 = arith.constant 480 : index
      %get3A_458 = tpu.vector_load %arg8[%get3A_456, %get3A_457] {strides = array<i32>} : memref<32x1024xf32, #tpu.memory_space<vmem>>, vector<1x16xf32>,
      %get3A_459 = vector.shape_cast %get3A_458 : vector<1x16xf32> to vector<16xf32>
      %get3A_460 = arith.index_cast %add3A_37 : i32 to index
      %get3A_461 = arith.constant 480 : index
      %get3A_462 = tpu.vector_load %arg9[%get3A_460, %get3A_461] {strides = array<i32>} : memref<32x1024xf32, #tpu.memory_space<vmem>>, vector<1x16xf32>,
      %get3A_463 = vector.shape_cast %get3A_462 : vector<1x16xf32> to vector<16xf32>
      %add3A_464 = arith.addf %get3A_459, %get3A_463 : vector<16xf32>
      %swap3A_465 = arith.index_cast %add3A_37 : i32 to index
      %swap3A_466 = arith.constant 480 : index
      %swap3A_467 = tpu.vector_load %arg8[%swap3A_465, %swap3A_466] {strides = array<i32>} : memref<32x1024xf32, #tpu.memory_space<vmem>>, vector<1x16xf32>,
      %swap3A_468 = vector.shape_cast %swap3A_467 : vector<1x16xf32> to vector<16xf32>
      %swap3A_469 = vector.shape_cast %add3A_464 : vector<16xf32> to vector<1x16xf32>
      tpu.vector_store %arg8[%swap3A_465, %swap3A_466], %swap3A_469 {strides = array<i32>} : memref<32x1024xf32, #tpu.memory_space<vmem>>, vector<1x16xf32>,
      %get3A_470 = arith.index_cast %add3A_37 : i32 to index
      %get3A_471 = arith.constant 496 : index
      %get3A_472 = tpu.vector_load %arg8[%get3A_470, %get3A_471] {strides = array<i32>} : memref<32x1024xf32, #tpu.memory_space<vmem>>, vector<1x16xf32>,
      %get3A_473 = vector.shape_cast %get3A_472 : vector<1x16xf32> to vector<16xf32>
      %get3A_474 = arith.index_cast %add3A_37 : i32 to index
      %get3A_475 = arith.constant 496 : index
      %get3A_476 = tpu.vector_load %arg9[%get3A_474, %get3A_475] {strides = array<i32>} : memref<32x1024xf32, #tpu.memory_space<vmem>>, vector<1x16xf32>,
      %get3A_477 = vector.shape_cast %get3A_476 : vector<1x16xf32> to vector<16xf32>
      %add3A_478 = arith.addf %get3A_473, %get3A_477 : vector<16xf32>
      %swap3A_479 = arith.index_cast %add3A_37 : i32 to index
      %swap3A_480 = arith.constant 496 : index
      %swap3A_481 = tpu.vector_load %arg8[%swap3A_479, %swap3A_480] {strides = array<i32>} : memref<32x1024xf32, #tpu.memory_space<vmem>>, vector<1x16xf32>,
      %swap3A_482 = vector.shape_cast %swap3A_481 : vector<1x16xf32> to vector<16xf32>
      %swap3A_483 = vector.shape_cast %add3A_478 : vector<16xf32> to vector<1x16xf32>
      tpu.vector_store %arg8[%swap3A_479, %swap3A_480], %swap3A_483 {strides = array<i32>} : memref<32x1024xf32, #tpu.memory_space<vmem>>, vector<1x16xf32>,
      %get3A_484 = arith.index_cast %add3A_37 : i32 to index
      %get3A_485 = arith.constant 512 : index
      %get3A_486 = tpu.vector_load %arg8[%get3A_484, %get3A_485] {strides = array<i32>} : memref<32x1024xf32, #tpu.memory_space<vmem>>, vector<1x16xf32>,
      %get3A_487 = vector.shape_cast %get3A_486 : vector<1x16xf32> to vector<16xf32>
      %get3A_488 = arith.index_cast %add3A_37 : i32 to index
      %get3A_489 = arith.constant 512 : index
      %get3A_490 = tpu.vector_load %arg9[%get3A_488, %get3A_489] {strides = array<i32>} : memref<32x1024xf32, #tpu.memory_space<vmem>>, vector<1x16xf32>,
      %get3A_491 = vector.shape_cast %get3A_490 : vector<1x16xf32> to vector<16xf32>
      %add3A_492 = arith.addf %get3A_487, %get3A_491 : vector<16xf32>
      %swap3A_493 = arith.index_cast %add3A_37 : i32 to index
      %swap3A_494 = arith.constant 512 : index
      %swap3A_495 = tpu.vector_load %arg8[%swap3A_493, %swap3A_494] {strides = array<i32>} : memref<32x1024xf32, #tpu.memory_space<vmem>>, vector<1x16xf32>,
      %swap3A_496 = vector.shape_cast %swap3A_495 : vector<1x16xf32> to vector<16xf32>
      %swap3A_497 = vector.shape_cast %add3A_492 : vector<16xf32> to vector<1x16xf32>
      tpu.vector_store %arg8[%swap3A_493, %swap3A_494], %swap3A_497 {strides = array<i32>} : memref<32x1024xf32, #tpu.memory_space<vmem>>, vector<1x16xf32>,
      %get3A_498 = arith.index_cast %add3A_37 : i32 to index
      %get3A_499 = arith.constant 528 : index
      %get3A_500 = tpu.vector_load %arg8[%get3A_498, %get3A_499] {strides = array<i32>} : memref<32x1024xf32, #tpu.memory_space<vmem>>, vector<1x16xf32>,
      %get3A_501 = vector.shape_cast %get3A_500 : vector<1x16xf32> to vector<16xf32>
      %get3A_502 = arith.index_cast %add3A_37 : i32 to index
      %get3A_503 = arith.constant 528 : index
      %get3A_504 = tpu.vector_load %arg9[%get3A_502, %get3A_503] {strides = array<i32>} : memref<32x1024xf32, #tpu.memory_space<vmem>>, vector<1x16xf32>,
      %get3A_505 = vector.shape_cast %get3A_504 : vector<1x16xf32> to vector<16xf32>
      %add3A_506 = arith.addf %get3A_501, %get3A_505 : vector<16xf32>
      %swap3A_507 = arith.index_cast %add3A_37 : i32 to index
      %swap3A_508 = arith.constant 528 : index
      %swap3A_509 = tpu.vector_load %arg8[%swap3A_507, %swap3A_508] {strides = array<i32>} : memref<32x1024xf32, #tpu.memory_space<vmem>>, vector<1x16xf32>,
      %swap3A_510 = vector.shape_cast %swap3A_509 : vector<1x16xf32> to vector<16xf32>
      %swap3A_511 = vector.shape_cast %add3A_506 : vector<16xf32> to vector<1x16xf32>
      tpu.vector_store %arg8[%swap3A_507, %swap3A_508], %swap3A_511 {strides = array<i32>} : memref<32x1024xf32, #tpu.memory_space<vmem>>, vector<1x16xf32>,
      %get3A_512 = arith.index_cast %add3A_37 : i32 to index
      %get3A_513 = arith.constant 544 : index
      %get3A_514 = tpu.vector_load %arg8[%get3A_512, %get3A_513] {strides = array<i32>} : memref<32x1024xf32, #tpu.memory_space<vmem>>, vector<1x16xf32>,
      %get3A_515 = vector.shape_cast %get3A_514 : vector<1x16xf32> to vector<16xf32>
      %get3A_516 = arith.index_cast %add3A_37 : i32 to index
      %get3A_517 = arith.constant 544 : index
      %get3A_518 = tpu.vector_load %arg9[%get3A_516, %get3A_517] {strides = array<i32>} : memref<32x1024xf32, #tpu.memory_space<vmem>>, vector<1x16xf32>,
      %get3A_519 = vector.shape_cast %get3A_518 : vector<1x16xf32> to vector<16xf32>
      %add3A_520 = arith.addf %get3A_515, %get3A_519 : vector<16xf32>
      %swap3A_521 = arith.index_cast %add3A_37 : i32 to index
      %swap3A_522 = arith.constant 544 : index
      %swap3A_523 = tpu.vector_load %arg8[%swap3A_521, %swap3A_522] {strides = array<i32>} : memref<32x1024xf32, #tpu.memory_space<vmem>>, vector<1x16xf32>,
      %swap3A_524 = vector.shape_cast %swap3A_523 : vector<1x16xf32> to vector<16xf32>
      %swap3A_525 = vector.shape_cast %add3A_520 : vector<16xf32> to vector<1x16xf32>
      tpu.vector_store %arg8[%swap3A_521, %swap3A_522], %swap3A_525 {strides = array<i32>} : memref<32x1024xf32, #tpu.memory_space<vmem>>, vector<1x16xf32>,
      %get3A_526 = arith.index_cast %add3A_37 : i32 to index
      %get3A_527 = arith.constant 560 : index
      %get3A_528 = tpu.vector_load %arg8[%get3A_526, %get3A_527] {strides = array<i32>} : memref<32x1024xf32, #tpu.memory_space<vmem>>, vector<1x16xf32>,
      %get3A_529 = vector.shape_cast %get3A_528 : vector<1x16xf32> to vector<16xf32>
      %get3A_530 = arith.index_cast %add3A_37 : i32 to index
      %get3A_531 = arith.constant 560 : index
      %get3A_532 = tpu.vector_load %arg9[%get3A_530, %get3A_531] {strides = array<i32>} : memref<32x1024xf32, #tpu.memory_space<vmem>>, vector<1x16xf32>,
      %get3A_533 = vector.shape_cast %get3A_532 : vector<1x16xf32> to vector<16xf32>
      %add3A_534 = arith.addf %get3A_529, %get3A_533 : vector<16xf32>
      %swap3A_535 = arith.index_cast %add3A_37 : i32 to index
      %swap3A_536 = arith.constant 560 : index
      %swap3A_537 = tpu.vector_load %arg8[%swap3A_535, %swap3A_536] {strides = array<i32>} : memref<32x1024xf32, #tpu.memory_space<vmem>>, vector<1x16xf32>,
      %swap3A_538 = vector.shape_cast %swap3A_537 : vector<1x16xf32> to vector<16xf32>
      %swap3A_539 = vector.shape_cast %add3A_534 : vector<16xf32> to vector<1x16xf32>
      tpu.vector_store %arg8[%swap3A_535, %swap3A_536], %swap3A_539 {strides = array<i32>} : memref<32x1024xf32, #tpu.memory_space<vmem>>, vector<1x16xf32>,
      %get3A_540 = arith.index_cast %add3A_37 : i32 to index
      %get3A_541 = arith.constant 576 : index
      %get3A_542 = tpu.vector_load %arg8[%get3A_540, %get3A_541] {strides = array<i32>} : memref<32x1024xf32, #tpu.memory_space<vmem>>, vector<1x16xf32>,
      %get3A_543 = vector.shape_cast %get3A_542 : vector<1x16xf32> to vector<16xf32>
      %get3A_544 = arith.index_cast %add3A_37 : i32 to index
      %get3A_545 = arith.constant 576 : index
      %get3A_546 = tpu.vector_load %arg9[%get3A_544, %get3A_545] {strides = array<i32>} : memref<32x1024xf32, #tpu.memory_space<vmem>>, vector<1x16xf32>,
      %get3A_547 = vector.shape_cast %get3A_546 : vector<1x16xf32> to vector<16xf32>
      %add3A_548 = arith.addf %get3A_543, %get3A_547 : vector<16xf32>
      %swap3A_549 = arith.index_cast %add3A_37 : i32 to index
      %swap3A_550 = arith.constant 576 : index
      %swap3A_551 = tpu.vector_load %arg8[%swap3A_549, %swap3A_550] {strides = array<i32>} : memref<32x1024xf32, #tpu.memory_space<vmem>>, vector<1x16xf32>,
      %swap3A_552 = vector.shape_cast %swap3A_551 : vector<1x16xf32> to vector<16xf32>
      %swap3A_553 = vector.shape_cast %add3A_548 : vector<16xf32> to vector<1x16xf32>
      tpu.vector_store %arg8[%swap3A_549, %swap3A_550], %swap3A_553 {strides = array<i32>} : memref<32x1024xf32, #tpu.memory_space<vmem>>, vector<1x16xf32>,
      %get3A_554 = arith.index_cast %add3A_37 : i32 to index
      %get3A_555 = arith.constant 592 : index
      %get3A_556 = tpu.vector_load %arg8[%get3A_554, %get3A_555] {strides = array<i32>} : memref<32x1024xf32, #tpu.memory_space<vmem>>, vector<1x16xf32>,
      %get3A_557 = vector.shape_cast %get3A_556 : vector<1x16xf32> to vector<16xf32>
      %get3A_558 = arith.index_cast %add3A_37 : i32 to index
      %get3A_559 = arith.constant 592 : index
      %get3A_560 = tpu.vector_load %arg9[%get3A_558, %get3A_559] {strides = array<i32>} : memref<32x1024xf32, #tpu.memory_space<vmem>>, vector<1x16xf32>,
      %get3A_561 = vector.shape_cast %get3A_560 : vector<1x16xf32> to vector<16xf32>
      %add3A_562 = arith.addf %get3A_557, %get3A_561 : vector<16xf32>
      %swap3A_563 = arith.index_cast %add3A_37 : i32 to index
      %swap3A_564 = arith.constant 592 : index
      %swap3A_565 = tpu.vector_load %arg8[%swap3A_563, %swap3A_564] {strides = array<i32>} : memref<32x1024xf32, #tpu.memory_space<vmem>>, vector<1x16xf32>,
      %swap3A_566 = vector.shape_cast %swap3A_565 : vector<1x16xf32> to vector<16xf32>
      %swap3A_567 = vector.shape_cast %add3A_562 : vector<16xf32> to vector<1x16xf32>
      tpu.vector_store %arg8[%swap3A_563, %swap3A_564], %swap3A_567 {strides = array<i32>} : memref<32x1024xf32, #tpu.memory_space<vmem>>, vector<1x16xf32>,
      %get3A_568 = arith.index_cast %add3A_37 : i32 to index
      %get3A_569 = arith.constant 608 : index
      %get3A_570 = tpu.vector_load %arg8[%get3A_568, %get3A_569] {strides = array<i32>} : memref<32x1024xf32, #tpu.memory_space<vmem>>, vector<1x16xf32>,
      %get3A_571 = vector.shape_cast %get3A_570 : vector<1x16xf32> to vector<16xf32>
      %get3A_572 = arith.index_cast %add3A_37 : i32 to index
      %get3A_573 = arith.constant 608 : index
      %get3A_574 = tpu.vector_load %arg9[%get3A_572, %get3A_573] {strides = array<i32>} : memref<32x1024xf32, #tpu.memory_space<vmem>>, vector<1x16xf32>,
      %get3A_575 = vector.shape_cast %get3A_574 : vector<1x16xf32> to vector<16xf32>
      %add3A_576 = arith.addf %get3A_571, %get3A_575 : vector<16xf32>
      %swap3A_577 = arith.index_cast %add3A_37 : i32 to index
      %swap3A_578 = arith.constant 608 : index
      %swap3A_579 = tpu.vector_load %arg8[%swap3A_577, %swap3A_578] {strides = array<i32>} : memref<32x1024xf32, #tpu.memory_space<vmem>>, vector<1x16xf32>,
      %swap3A_580 = vector.shape_cast %swap3A_579 : vector<1x16xf32> to vector<16xf32>
      %swap3A_581 = vector.shape_cast %add3A_576 : vector<16xf32> to vector<1x16xf32>
      tpu.vector_store %arg8[%swap3A_577, %swap3A_578], %swap3A_581 {strides = array<i32>} : memref<32x1024xf32, #tpu.memory_space<vmem>>, vector<1x16xf32>,
      %get3A_582 = arith.index_cast %add3A_37 : i32 to index
      %get3A_583 = arith.constant 624 : index
      %get3A_584 = tpu.vector_load %arg8[%get3A_582, %get3A_583] {strides = array<i32>} : memref<32x1024xf32, #tpu.memory_space<vmem>>, vector<1x16xf32>,
      %get3A_585 = vector.shape_cast %get3A_584 : vector<1x16xf32> to vector<16xf32>
      %get3A_586 = arith.index_cast %add3A_37 : i32 to index
      %get3A_587 = arith.constant 624 : index
      %get3A_588 = tpu.vector_load %arg9[%get3A_586, %get3A_587] {strides = array<i32>} : memref<32x1024xf32, #tpu.memory_space<vmem>>, vector<1x16xf32>,
      %get3A_589 = vector.shape_cast %get3A_588 : vector<1x16xf32> to vector<16xf32>
      %add3A_590 = arith.addf %get3A_585, %get3A_589 : vector<16xf32>
      %swap3A_591 = arith.index_cast %add3A_37 : i32 to index
      %swap3A_592 = arith.constant 624 : index
      %swap3A_593 = tpu.vector_load %arg8[%swap3A_591, %swap3A_592] {strides = array<i32>} : memref<32x1024xf32, #tpu.memory_space<vmem>>, vector<1x16xf32>,
      %swap3A_594 = vector.shape_cast %swap3A_593 : vector<1x16xf32> to vector<16xf32>
      %swap3A_595 = vector.shape_cast %add3A_590 : vector<16xf32> to vector<1x16xf32>
      tpu.vector_store %arg8[%swap3A_591, %swap3A_592], %swap3A_595 {strides = array<i32>} : memref<32x1024xf32, #tpu.memory_space<vmem>>, vector<1x16xf32>,
      %get3A_596 = arith.index_cast %add3A_37 : i32 to index
      %get3A_597 = arith.constant 640 : index
      %get3A_598 = tpu.vector_load %arg8[%get3A_596, %get3A_597] {strides = array<i32>} : memref<32x1024xf32, #tpu.memory_space<vmem>>, vector<1x16xf32>,
      %get3A_599 = vector.shape_cast %get3A_598 : vector<1x16xf32> to vector<16xf32>
      %get3A_600 = arith.index_cast %add3A_37 : i32 to index
      %get3A_601 = arith.constant 640 : index
      %get3A_602 = tpu.vector_load %arg9[%get3A_600, %get3A_601] {strides = array<i32>} : memref<32x1024xf32, #tpu.memory_space<vmem>>, vector<1x16xf32>,
      %get3A_603 = vector.shape_cast %get3A_602 : vector<1x16xf32> to vector<16xf32>
      %add3A_604 = arith.addf %get3A_599, %get3A_603 : vector<16xf32>
      %swap3A_605 = arith.index_cast %add3A_37 : i32 to index
      %swap3A_606 = arith.constant 640 : index
      %swap3A_607 = tpu.vector_load %arg8[%swap3A_605, %swap3A_606] {strides = array<i32>} : memref<32x1024xf32, #tpu.memory_space<vmem>>, vector<1x16xf32>,
      %swap3A_608 = vector.shape_cast %swap3A_607 : vector<1x16xf32> to vector<16xf32>
      %swap3A_609 = vector.shape_cast %add3A_604 : vector<16xf32> to vector<1x16xf32>
      tpu.vector_store %arg8[%swap3A_605, %swap3A_606], %swap3A_609 {strides = array<i32>} : memref<32x1024xf32, #tpu.memory_space<vmem>>, vector<1x16xf32>,
      %get3A_610 = arith.index_cast %add3A_37 : i32 to index
      %get3A_611 = arith.constant 656 : index
      %get3A_612 = tpu.vector_load %arg8[%get3A_610, %get3A_611] {strides = array<i32>} : memref<32x1024xf32, #tpu.memory_space<vmem>>, vector<1x16xf32>,
      %get3A_613 = vector.shape_cast %get3A_612 : vector<1x16xf32> to vector<16xf32>
      %get3A_614 = arith.index_cast %add3A_37 : i32 to index
      %get3A_615 = arith.constant 656 : index
      %get3A_616 = tpu.vector_load %arg9[%get3A_614, %get3A_615] {strides = array<i32>} : memref<32x1024xf32, #tpu.memory_space<vmem>>, vector<1x16xf32>,
      %get3A_617 = vector.shape_cast %get3A_616 : vector<1x16xf32> to vector<16xf32>
      %add3A_618 = arith.addf %get3A_613, %get3A_617 : vector<16xf32>
      %swap3A_619 = arith.index_cast %add3A_37 : i32 to index
      %swap3A_620 = arith.constant 656 : index
      %swap3A_621 = tpu.vector_load %arg8[%swap3A_619, %swap3A_620] {strides = array<i32>} : memref<32x1024xf32, #tpu.memory_space<vmem>>, vector<1x16xf32>,
      %swap3A_622 = vector.shape_cast %swap3A_621 : vector<1x16xf32> to vector<16xf32>
      %swap3A_623 = vector.shape_cast %add3A_618 : vector<16xf32> to vector<1x16xf32>
      tpu.vector_store %arg8[%swap3A_619, %swap3A_620], %swap3A_623 {strides = array<i32>} : memref<32x1024xf32, #tpu.memory_space<vmem>>, vector<1x16xf32>,
      %get3A_624 = arith.index_cast %add3A_37 : i32 to index
      %get3A_625 = arith.constant 672 : index
      %get3A_626 = tpu.vector_load %arg8[%get3A_624, %get3A_625] {strides = array<i32>} : memref<32x1024xf32, #tpu.memory_space<vmem>>, vector<1x16xf32>,
      %get3A_627 = vector.shape_cast %get3A_626 : vector<1x16xf32> to vector<16xf32>
      %get3A_628 = arith.index_cast %add3A_37 : i32 to index
      %get3A_629 = arith.constant 672 : index
      %get3A_630 = tpu.vector_load %arg9[%get3A_628, %get3A_629] {strides = array<i32>} : memref<32x1024xf32, #tpu.memory_space<vmem>>, vector<1x16xf32>,
      %get3A_631 = vector.shape_cast %get3A_630 : vector<1x16xf32> to vector<16xf32>
      %add3A_632 = arith.addf %get3A_627, %get3A_631 : vector<16xf32>
      %swap3A_633 = arith.index_cast %add3A_37 : i32 to index
      %swap3A_634 = arith.constant 672 : index
      %swap3A_635 = tpu.vector_load %arg8[%swap3A_633, %swap3A_634] {strides = array<i32>} : memref<32x1024xf32, #tpu.memory_space<vmem>>, vector<1x16xf32>,
      %swap3A_636 = vector.shape_cast %swap3A_635 : vector<1x16xf32> to vector<16xf32>
      %swap3A_637 = vector.shape_cast %add3A_632 : vector<16xf32> to vector<1x16xf32>
      tpu.vector_store %arg8[%swap3A_633, %swap3A_634], %swap3A_637 {strides = array<i32>} : memref<32x1024xf32, #tpu.memory_space<vmem>>, vector<1x16xf32>,
      %get3A_638 = arith.index_cast %add3A_37 : i32 to index
      %get3A_639 = arith.constant 688 : index
      %get3A_640 = tpu.vector_load %arg8[%get3A_638, %get3A_639] {strides = array<i32>} : memref<32x1024xf32, #tpu.memory_space<vmem>>, vector<1x16xf32>,
      %get3A_641 = vector.shape_cast %get3A_640 : vector<1x16xf32> to vector<16xf32>
      %get3A_642 = arith.index_cast %add3A_37 : i32 to index
      %get3A_643 = arith.constant 688 : index
      %get3A_644 = tpu.vector_load %arg9[%get3A_642, %get3A_643] {strides = array<i32>} : memref<32x1024xf32, #tpu.memory_space<vmem>>, vector<1x16xf32>,
      %get3A_645 = vector.shape_cast %get3A_644 : vector<1x16xf32> to vector<16xf32>
      %add3A_646 = arith.addf %get3A_641, %get3A_645 : vector<16xf32>
      %swap3A_647 = arith.index_cast %add3A_37 : i32 to index
      %swap3A_648 = arith.constant 688 : index
      %swap3A_649 = tpu.vector_load %arg8[%swap3A_647, %swap3A_648] {strides = array<i32>} : memref<32x1024xf32, #tpu.memory_space<vmem>>, vector<1x16xf32>,
      %swap3A_650 = vector.shape_cast %swap3A_649 : vector<1x16xf32> to vector<16xf32>
      %swap3A_651 = vector.shape_cast %add3A_646 : vector<16xf32> to vector<1x16xf32>
      tpu.vector_store %arg8[%swap3A_647, %swap3A_648], %swap3A_651 {strides = array<i32>} : memref<32x1024xf32, #tpu.memory_space<vmem>>, vector<1x16xf32>,
      %get3A_652 = arith.index_cast %add3A_37 : i32 to index
      %get3A_653 = arith.constant 704 : index
      %get3A_654 = tpu.vector_load %arg8[%get3A_652, %get3A_653] {strides = array<i32>} : memref<32x1024xf32, #tpu.memory_space<vmem>>, vector<1x16xf32>,
      %get3A_655 = vector.shape_cast %get3A_654 : vector<1x16xf32> to vector<16xf32>
      %get3A_656 = arith.index_cast %add3A_37 : i32 to index
      %get3A_657 = arith.constant 704 : index
      %get3A_658 = tpu.vector_load %arg9[%get3A_656, %get3A_657] {strides = array<i32>} : memref<32x1024xf32, #tpu.memory_space<vmem>>, vector<1x16xf32>,
      %get3A_659 = vector.shape_cast %get3A_658 : vector<1x16xf32> to vector<16xf32>
      %add3A_660 = arith.addf %get3A_655, %get3A_659 : vector<16xf32>
      %swap3A_661 = arith.index_cast %add3A_37 : i32 to index
      %swap3A_662 = arith.constant 704 : index
      %swap3A_663 = tpu.vector_load %arg8[%swap3A_661, %swap3A_662] {strides = array<i32>} : memref<32x1024xf32, #tpu.memory_space<vmem>>, vector<1x16xf32>,
      %swap3A_664 = vector.shape_cast %swap3A_663 : vector<1x16xf32> to vector<16xf32>
      %swap3A_665 = vector.shape_cast %add3A_660 : vector<16xf32> to vector<1x16xf32>
      tpu.vector_store %arg8[%swap3A_661, %swap3A_662], %swap3A_665 {strides = array<i32>} : memref<32x1024xf32, #tpu.memory_space<vmem>>, vector<1x16xf32>,
      %get3A_666 = arith.index_cast %add3A_37 : i32 to index
      %get3A_667 = arith.constant 720 : index
      %get3A_668 = tpu.vector_load %arg8[%get3A_666, %get3A_667] {strides = array<i32>} : memref<32x1024xf32, #tpu.memory_space<vmem>>, vector<1x16xf32>,
      %get3A_669 = vector.shape_cast %get3A_668 : vector<1x16xf32> to vector<16xf32>
      %get3A_670 = arith.index_cast %add3A_37 : i32 to index
      %get3A_671 = arith.constant 720 : index
      %get3A_672 = tpu.vector_load %arg9[%get3A_670, %get3A_671] {strides = array<i32>} : memref<32x1024xf32, #tpu.memory_space<vmem>>, vector<1x16xf32>,
      %get3A_673 = vector.shape_cast %get3A_672 : vector<1x16xf32> to vector<16xf32>
      %add3A_674 = arith.addf %get3A_669, %get3A_673 : vector<16xf32>
      %swap3A_675 = arith.index_cast %add3A_37 : i32 to index
      %swap3A_676 = arith.constant 720 : index
      %swap3A_677 = tpu.vector_load %arg8[%swap3A_675, %swap3A_676] {strides = array<i32>} : memref<32x1024xf32, #tpu.memory_space<vmem>>, vector<1x16xf32>,
      %swap3A_678 = vector.shape_cast %swap3A_677 : vector<1x16xf32> to vector<16xf32>
      %swap3A_679 = vector.shape_cast %add3A_674 : vector<16xf32> to vector<1x16xf32>
      tpu.vector_store %arg8[%swap3A_675, %swap3A_676], %swap3A_679 {strides = array<i32>} : memref<32x1024xf32, #tpu.memory_space<vmem>>, vector<1x16xf32>,
      %get3A_680 = arith.index_cast %add3A_37 : i32 to index
      %get3A_681 = arith.constant 736 : index
      %get3A_682 = tpu.vector_load %arg8[%get3A_680, %get3A_681] {strides = array<i32>} : memref<32x1024xf32, #tpu.memory_space<vmem>>, vector<1x16xf32>,
      %get3A_683 = vector.shape_cast %get3A_682 : vector<1x16xf32> to vector<16xf32>
      %get3A_684 = arith.index_cast %add3A_37 : i32 to index
      %get3A_685 = arith.constant 736 : index
      %get3A_686 = tpu.vector_load %arg9[%get3A_684, %get3A_685] {strides = array<i32>} : memref<32x1024xf32, #tpu.memory_space<vmem>>, vector<1x16xf32>,
      %get3A_687 = vector.shape_cast %get3A_686 : vector<1x16xf32> to vector<16xf32>
      %add3A_688 = arith.addf %get3A_683, %get3A_687 : vector<16xf32>
      %swap3A_689 = arith.index_cast %add3A_37 : i32 to index
      %swap3A_690 = arith.constant 736 : index
      %swap3A_691 = tpu.vector_load %arg8[%swap3A_689, %swap3A_690] {strides = array<i32>} : memref<32x1024xf32, #tpu.memory_space<vmem>>, vector<1x16xf32>,
      %swap3A_692 = vector.shape_cast %swap3A_691 : vector<1x16xf32> to vector<16xf32>
      %swap3A_693 = vector.shape_cast %add3A_688 : vector<16xf32> to vector<1x16xf32>
      tpu.vector_store %arg8[%swap3A_689, %swap3A_690], %swap3A_693 {strides = array<i32>} : memref<32x1024xf32, #tpu.memory_space<vmem>>, vector<1x16xf32>,
      %get3A_694 = arith.index_cast %add3A_37 : i32 to index
      %get3A_695 = arith.constant 752 : index
      %get3A_696 = tpu.vector_load %arg8[%get3A_694, %get3A_695] {strides = array<i32>} : memref<32x1024xf32, #tpu.memory_space<vmem>>, vector<1x16xf32>,
      %get3A_697 = vector.shape_cast %get3A_696 : vector<1x16xf32> to vector<16xf32>
      %get3A_698 = arith.index_cast %add3A_37 : i32 to index
      %get3A_699 = arith.constant 752 : index
      %get3A_700 = tpu.vector_load %arg9[%get3A_698, %get3A_699] {strides = array<i32>} : memref<32x1024xf32, #tpu.memory_space<vmem>>, vector<1x16xf32>,
      %get3A_701 = vector.shape_cast %get3A_700 : vector<1x16xf32> to vector<16xf32>
      %add3A_702 = arith.addf %get3A_697, %get3A_701 : vector<16xf32>
      %swap3A_703 = arith.index_cast %add3A_37 : i32 to index
      %swap3A_704 = arith.constant 752 : index
      %swap3A_705 = tpu.vector_load %arg8[%swap3A_703, %swap3A_704] {strides = array<i32>} : memref<32x1024xf32, #tpu.memory_space<vmem>>, vector<1x16xf32>,
      %swap3A_706 = vector.shape_cast %swap3A_705 : vector<1x16xf32> to vector<16xf32>
      %swap3A_707 = vector.shape_cast %add3A_702 : vector<16xf32> to vector<1x16xf32>
      tpu.vector_store %arg8[%swap3A_703, %swap3A_704], %swap3A_707 {strides = array<i32>} : memref<32x1024xf32, #tpu.memory_space<vmem>>, vector<1x16xf32>,
      %get3A_708 = arith.index_cast %add3A_37 : i32 to index
      %get3A_709 = arith.constant 768 : index
      %get3A_710 = tpu.vector_load %arg8[%get3A_708, %get3A_709] {strides = array<i32>} : memref<32x1024xf32, #tpu.memory_space<vmem>>, vector<1x16xf32>,
      %get3A_711 = vector.shape_cast %get3A_710 : vector<1x16xf32> to vector<16xf32>
      %get3A_712 = arith.index_cast %add3A_37 : i32 to index
      %get3A_713 = arith.constant 768 : index
      %get3A_714 = tpu.vector_load %arg9[%get3A_712, %get3A_713] {strides = array<i32>} : memref<32x1024xf32, #tpu.memory_space<vmem>>, vector<1x16xf32>,
      %get3A_715 = vector.shape_cast %get3A_714 : vector<1x16xf32> to vector<16xf32>
      %add3A_716 = arith.addf %get3A_711, %get3A_715 : vector<16xf32>
      %swap3A_717 = arith.index_cast %add3A_37 : i32 to index
      %swap3A_718 = arith.constant 768 : index
      %swap3A_719 = tpu.vector_load %arg8[%swap3A_717, %swap3A_718] {strides = array<i32>} : memref<32x1024xf32, #tpu.memory_space<vmem>>, vector<1x16xf32>,
      %swap3A_720 = vector.shape_cast %swap3A_719 : vector<1x16xf32> to vector<16xf32>
      %swap3A_721 = vector.shape_cast %add3A_716 : vector<16xf32> to vector<1x16xf32>
      tpu.vector_store %arg8[%swap3A_717, %swap3A_718], %swap3A_721 {strides = array<i32>} : memref<32x1024xf32, #tpu.memory_space<vmem>>, vector<1x16xf32>,
      %get3A_722 = arith.index_cast %add3A_37 : i32 to index
      %get3A_723 = arith.constant 784 : index
      %get3A_724 = tpu.vector_load %arg8[%get3A_722, %get3A_723] {strides = array<i32>} : memref<32x1024xf32, #tpu.memory_space<vmem>>, vector<1x16xf32>,
      %get3A_725 = vector.shape_cast %get3A_724 : vector<1x16xf32> to vector<16xf32>
      %get3A_726 = arith.index_cast %add3A_37 : i32 to index
      %get3A_727 = arith.constant 784 : index
      %get3A_728 = tpu.vector_load %arg9[%get3A_726, %get3A_727] {strides = array<i32>} : memref<32x1024xf32, #tpu.memory_space<vmem>>, vector<1x16xf32>,
      %get3A_729 = vector.shape_cast %get3A_728 : vector<1x16xf32> to vector<16xf32>
      %add3A_730 = arith.addf %get3A_725, %get3A_729 : vector<16xf32>
      %swap3A_731 = arith.index_cast %add3A_37 : i32 to index
      %swap3A_732 = arith.constant 784 : index
      %swap3A_733 = tpu.vector_load %arg8[%swap3A_731, %swap3A_732] {strides = array<i32>} : memref<32x1024xf32, #tpu.memory_space<vmem>>, vector<1x16xf32>,
      %swap3A_734 = vector.shape_cast %swap3A_733 : vector<1x16xf32> to vector<16xf32>
      %swap3A_735 = vector.shape_cast %add3A_730 : vector<16xf32> to vector<1x16xf32>
      tpu.vector_store %arg8[%swap3A_731, %swap3A_732], %swap3A_735 {strides = array<i32>} : memref<32x1024xf32, #tpu.memory_space<vmem>>, vector<1x16xf32>,
      %get3A_736 = arith.index_cast %add3A_37 : i32 to index
      %get3A_737 = arith.constant 800 : index
      %get3A_738 = tpu.vector_load %arg8[%get3A_736, %get3A_737] {strides = array<i32>} : memref<32x1024xf32, #tpu.memory_space<vmem>>, vector<1x16xf32>,
      %get3A_739 = vector.shape_cast %get3A_738 : vector<1x16xf32> to vector<16xf32>
      %get3A_740 = arith.index_cast %add3A_37 : i32 to index
      %get3A_741 = arith.constant 800 : index
      %get3A_742 = tpu.vector_load %arg9[%get3A_740, %get3A_741] {strides = array<i32>} : memref<32x1024xf32, #tpu.memory_space<vmem>>, vector<1x16xf32>,
      %get3A_743 = vector.shape_cast %get3A_742 : vector<1x16xf32> to vector<16xf32>
      %add3A_744 = arith.addf %get3A_739, %get3A_743 : vector<16xf32>
      %swap3A_745 = arith.index_cast %add3A_37 : i32 to index
      %swap3A_746 = arith.constant 800 : index
      %swap3A_747 = tpu.vector_load %arg8[%swap3A_745, %swap3A_746] {strides = array<i32>} : memref<32x1024xf32, #tpu.memory_space<vmem>>, vector<1x16xf32>,
      %swap3A_748 = vector.shape_cast %swap3A_747 : vector<1x16xf32> to vector<16xf32>
      %swap3A_749 = vector.shape_cast %add3A_744 : vector<16xf32> to vector<1x16xf32>
      tpu.vector_store %arg8[%swap3A_745, %swap3A_746], %swap3A_749 {strides = array<i32>} : memref<32x1024xf32, #tpu.memory_space<vmem>>, vector<1x16xf32>,
      %get3A_750 = arith.index_cast %add3A_37 : i32 to index
      %get3A_751 = arith.constant 816 : index
      %get3A_752 = tpu.vector_load %arg8[%get3A_750, %get3A_751] {strides = array<i32>} : memref<32x1024xf32, #tpu.memory_space<vmem>>, vector<1x16xf32>,
      %get3A_753 = vector.shape_cast %get3A_752 : vector<1x16xf32> to vector<16xf32>
      %get3A_754 = arith.index_cast %add3A_37 : i32 to index
      %get3A_755 = arith.constant 816 : index
      %get3A_756 = tpu.vector_load %arg9[%get3A_754, %get3A_755] {strides = array<i32>} : memref<32x1024xf32, #tpu.memory_space<vmem>>, vector<1x16xf32>,
      %get3A_757 = vector.shape_cast %get3A_756 : vector<1x16xf32> to vector<16xf32>
      %add3A_758 = arith.addf %get3A_753, %get3A_757 : vector<16xf32>
      %swap3A_759 = arith.index_cast %add3A_37 : i32 to index
      %swap3A_760 = arith.constant 816 : index
      %swap3A_761 = tpu.vector_load %arg8[%swap3A_759, %swap3A_760] {strides = array<i32>} : memref<32x1024xf32, #tpu.memory_space<vmem>>, vector<1x16xf32>,
      %swap3A_762 = vector.shape_cast %swap3A_761 : vector<1x16xf32> to vector<16xf32>
      %swap3A_763 = vector.shape_cast %add3A_758 : vector<16xf32> to vector<1x16xf32>
      tpu.vector_store %arg8[%swap3A_759, %swap3A_760], %swap3A_763 {strides = array<i32>} : memref<32x1024xf32, #tpu.memory_space<vmem>>, vector<1x16xf32>,
      %get3A_764 = arith.index_cast %add3A_37 : i32 to index
      %get3A_765 = arith.constant 832 : index
      %get3A_766 = tpu.vector_load %arg8[%get3A_764, %get3A_765] {strides = array<i32>} : memref<32x1024xf32, #tpu.memory_space<vmem>>, vector<1x16xf32>,
      %get3A_767 = vector.shape_cast %get3A_766 : vector<1x16xf32> to vector<16xf32>
      %get3A_768 = arith.index_cast %add3A_37 : i32 to index
      %get3A_769 = arith.constant 832 : index
      %get3A_770 = tpu.vector_load %arg9[%get3A_768, %get3A_769] {strides = array<i32>} : memref<32x1024xf32, #tpu.memory_space<vmem>>, vector<1x16xf32>,
      %get3A_771 = vector.shape_cast %get3A_770 : vector<1x16xf32> to vector<16xf32>
      %add3A_772 = arith.addf %get3A_767, %get3A_771 : vector<16xf32>
      %swap3A_773 = arith.index_cast %add3A_37 : i32 to index
      %swap3A_774 = arith.constant 832 : index
      %swap3A_775 = tpu.vector_load %arg8[%swap3A_773, %swap3A_774] {strides = array<i32>} : memref<32x1024xf32, #tpu.memory_space<vmem>>, vector<1x16xf32>,
      %swap3A_776 = vector.shape_cast %swap3A_775 : vector<1x16xf32> to vector<16xf32>
      %swap3A_777 = vector.shape_cast %add3A_772 : vector<16xf32> to vector<1x16xf32>
      tpu.vector_store %arg8[%swap3A_773, %swap3A_774], %swap3A_777 {strides = array<i32>} : memref<32x1024xf32, #tpu.memory_space<vmem>>, vector<1x16xf32>,
      %get3A_778 = arith.index_cast %add3A_37 : i32 to index
      %get3A_779 = arith.constant 848 : index
      %get3A_780 = tpu.vector_load %arg8[%get3A_778, %get3A_779] {strides = array<i32>} : memref<32x1024xf32, #tpu.memory_space<vmem>>, vector<1x16xf32>,
      %get3A_781 = vector.shape_cast %get3A_780 : vector<1x16xf32> to vector<16xf32>
      %get3A_782 = arith.index_cast %add3A_37 : i32 to index
      %get3A_783 = arith.constant 848 : index
      %get3A_784 = tpu.vector_load %arg9[%get3A_782, %get3A_783] {strides = array<i32>} : memref<32x1024xf32, #tpu.memory_space<vmem>>, vector<1x16xf32>,
      %get3A_785 = vector.shape_cast %get3A_784 : vector<1x16xf32> to vector<16xf32>
      %add3A_786 = arith.addf %get3A_781, %get3A_785 : vector<16xf32>
      %swap3A_787 = arith.index_cast %add3A_37 : i32 to index
      %swap3A_788 = arith.constant 848 : index
      %swap3A_789 = tpu.vector_load %arg8[%swap3A_787, %swap3A_788] {strides = array<i32>} : memref<32x1024xf32, #tpu.memory_space<vmem>>, vector<1x16xf32>,
      %swap3A_790 = vector.shape_cast %swap3A_789 : vector<1x16xf32> to vector<16xf32>
      %swap3A_791 = vector.shape_cast %add3A_786 : vector<16xf32> to vector<1x16xf32>
      tpu.vector_store %arg8[%swap3A_787, %swap3A_788], %swap3A_791 {strides = array<i32>} : memref<32x1024xf32, #tpu.memory_space<vmem>>, vector<1x16xf32>,
      %get3A_792 = arith.index_cast %add3A_37 : i32 to index
      %get3A_793 = arith.constant 864 : index
      %get3A_794 = tpu.vector_load %arg8[%get3A_792, %get3A_793] {strides = array<i32>} : memref<32x1024xf32, #tpu.memory_space<vmem>>, vector<1x16xf32>,
      %get3A_795 = vector.shape_cast %get3A_794 : vector<1x16xf32> to vector<16xf32>
      %get3A_796 = arith.index_cast %add3A_37 : i32 to index
      %get3A_797 = arith.constant 864 : index
      %get3A_798 = tpu.vector_load %arg9[%get3A_796, %get3A_797] {strides = array<i32>} : memref<32x1024xf32, #tpu.memory_space<vmem>>, vector<1x16xf32>,
      %get3A_799 = vector.shape_cast %get3A_798 : vector<1x16xf32> to vector<16xf32>
      %add3A_800 = arith.addf %get3A_795, %get3A_799 : vector<16xf32>
      %swap3A_801 = arith.index_cast %add3A_37 : i32 to index
      %swap3A_802 = arith.constant 864 : index
      %swap3A_803 = tpu.vector_load %arg8[%swap3A_801, %swap3A_802] {strides = array<i32>} : memref<32x1024xf32, #tpu.memory_space<vmem>>, vector<1x16xf32>,
      %swap3A_804 = vector.shape_cast %swap3A_803 : vector<1x16xf32> to vector<16xf32>
      %swap3A_805 = vector.shape_cast %add3A_800 : vector<16xf32> to vector<1x16xf32>
      tpu.vector_store %arg8[%swap3A_801, %swap3A_802], %swap3A_805 {strides = array<i32>} : memref<32x1024xf32, #tpu.memory_space<vmem>>, vector<1x16xf32>,
      %get3A_806 = arith.index_cast %add3A_37 : i32 to index
      %get3A_807 = arith.constant 880 : index
      %get3A_808 = tpu.vector_load %arg8[%get3A_806, %get3A_807] {strides = array<i32>} : memref<32x1024xf32, #tpu.memory_space<vmem>>, vector<1x16xf32>,
      %get3A_809 = vector.shape_cast %get3A_808 : vector<1x16xf32> to vector<16xf32>
      %get3A_810 = arith.index_cast %add3A_37 : i32 to index
      %get3A_811 = arith.constant 880 : index
      %get3A_812 = tpu.vector_load %arg9[%get3A_810, %get3A_811] {strides = array<i32>} : memref<32x1024xf32, #tpu.memory_space<vmem>>, vector<1x16xf32>,
      %get3A_813 = vector.shape_cast %get3A_812 : vector<1x16xf32> to vector<16xf32>
      %add3A_814 = arith.addf %get3A_809, %get3A_813 : vector<16xf32>
      %swap3A_815 = arith.index_cast %add3A_37 : i32 to index
      %swap3A_816 = arith.constant 880 : index
      %swap3A_817 = tpu.vector_load %arg8[%swap3A_815, %swap3A_816] {strides = array<i32>} : memref<32x1024xf32, #tpu.memory_space<vmem>>, vector<1x16xf32>,
      %swap3A_818 = vector.shape_cast %swap3A_817 : vector<1x16xf32> to vector<16xf32>
      %swap3A_819 = vector.shape_cast %add3A_814 : vector<16xf32> to vector<1x16xf32>
      tpu.vector_store %arg8[%swap3A_815, %swap3A_816], %swap3A_819 {strides = array<i32>} : memref<32x1024xf32, #tpu.memory_space<vmem>>, vector<1x16xf32>,
      %get3A_820 = arith.index_cast %add3A_37 : i32 to index
      %get3A_821 = arith.constant 896 : index
      %get3A_822 = tpu.vector_load %arg8[%get3A_820, %get3A_821] {strides = array<i32>} : memref<32x1024xf32, #tpu.memory_space<vmem>>, vector<1x16xf32>,
      %get3A_823 = vector.shape_cast %get3A_822 : vector<1x16xf32> to vector<16xf32>
      %get3A_824 = arith.index_cast %add3A_37 : i32 to index
      %get3A_825 = arith.constant 896 : index
      %get3A_826 = tpu.vector_load %arg9[%get3A_824, %get3A_825] {strides = array<i32>} : memref<32x1024xf32, #tpu.memory_space<vmem>>, vector<1x16xf32>,
      %get3A_827 = vector.shape_cast %get3A_826 : vector<1x16xf32> to vector<16xf32>
      %add3A_828 = arith.addf %get3A_823, %get3A_827 : vector<16xf32>
      %swap3A_829 = arith.index_cast %add3A_37 : i32 to index
      %swap3A_830 = arith.constant 896 : index
      %swap3A_831 = tpu.vector_load %arg8[%swap3A_829, %swap3A_830] {strides = array<i32>} : memref<32x1024xf32, #tpu.memory_space<vmem>>, vector<1x16xf32>,
      %swap3A_832 = vector.shape_cast %swap3A_831 : vector<1x16xf32> to vector<16xf32>
      %swap3A_833 = vector.shape_cast %add3A_828 : vector<16xf32> to vector<1x16xf32>
      tpu.vector_store %arg8[%swap3A_829, %swap3A_830], %swap3A_833 {strides = array<i32>} : memref<32x1024xf32, #tpu.memory_space<vmem>>, vector<1x16xf32>,
      %get3A_834 = arith.index_cast %add3A_37 : i32 to index
      %get3A_835 = arith.constant 912 : index
      %get3A_836 = tpu.vector_load %arg8[%get3A_834, %get3A_835] {strides = array<i32>} : memref<32x1024xf32, #tpu.memory_space<vmem>>, vector<1x16xf32>,
      %get3A_837 = vector.shape_cast %get3A_836 : vector<1x16xf32> to vector<16xf32>
      %get3A_838 = arith.index_cast %add3A_37 : i32 to index
      %get3A_839 = arith.constant 912 : index
      %get3A_840 = tpu.vector_load %arg9[%get3A_838, %get3A_839] {strides = array<i32>} : memref<32x1024xf32, #tpu.memory_space<vmem>>, vector<1x16xf32>,
      %get3A_841 = vector.shape_cast %get3A_840 : vector<1x16xf32> to vector<16xf32>
      %add3A_842 = arith.addf %get3A_837, %get3A_841 : vector<16xf32>
      %swap3A_843 = arith.index_cast %add3A_37 : i32 to index
      %swap3A_844 = arith.constant 912 : index
      %swap3A_845 = tpu.vector_load %arg8[%swap3A_843, %swap3A_844] {strides = array<i32>} : memref<32x1024xf32, #tpu.memory_space<vmem>>, vector<1x16xf32>,
      %swap3A_846 = vector.shape_cast %swap3A_845 : vector<1x16xf32> to vector<16xf32>
      %swap3A_847 = vector.shape_cast %add3A_842 : vector<16xf32> to vector<1x16xf32>
      tpu.vector_store %arg8[%swap3A_843, %swap3A_844], %swap3A_847 {strides = array<i32>} : memref<32x1024xf32, #tpu.memory_space<vmem>>, vector<1x16xf32>,
      %get3A_848 = arith.index_cast %add3A_37 : i32 to index
      %get3A_849 = arith.constant 928 : index
      %get3A_850 = tpu.vector_load %arg8[%get3A_848, %get3A_849] {strides = array<i32>} : memref<32x1024xf32, #tpu.memory_space<vmem>>, vector<1x16xf32>,
      %get3A_851 = vector.shape_cast %get3A_850 : vector<1x16xf32> to vector<16xf32>
      %get3A_852 = arith.index_cast %add3A_37 : i32 to index
      %get3A_853 = arith.constant 928 : index
      %get3A_854 = tpu.vector_load %arg9[%get3A_852, %get3A_853] {strides = array<i32>} : memref<32x1024xf32, #tpu.memory_space<vmem>>, vector<1x16xf32>,
      %get3A_855 = vector.shape_cast %get3A_854 : vector<1x16xf32> to vector<16xf32>
      %add3A_856 = arith.addf %get3A_851, %get3A_855 : vector<16xf32>
      %swap3A_857 = arith.index_cast %add3A_37 : i32 to index
      %swap3A_858 = arith.constant 928 : index
      %swap3A_859 = tpu.vector_load %arg8[%swap3A_857, %swap3A_858] {strides = array<i32>} : memref<32x1024xf32, #tpu.memory_space<vmem>>, vector<1x16xf32>,
      %swap3A_860 = vector.shape_cast %swap3A_859 : vector<1x16xf32> to vector<16xf32>
      %swap3A_861 = vector.shape_cast %add3A_856 : vector<16xf32> to vector<1x16xf32>
      tpu.vector_store %arg8[%swap3A_857, %swap3A_858], %swap3A_861 {strides = array<i32>} : memref<32x1024xf32, #tpu.memory_space<vmem>>, vector<1x16xf32>,
      %get3A_862 = arith.index_cast %add3A_37 : i32 to index
      %get3A_863 = arith.constant 944 : index
      %get3A_864 = tpu.vector_load %arg8[%get3A_862, %get3A_863] {strides = array<i32>} : memref<32x1024xf32, #tpu.memory_space<vmem>>, vector<1x16xf32>,
      %get3A_865 = vector.shape_cast %get3A_864 : vector<1x16xf32> to vector<16xf32>
      %get3A_866 = arith.index_cast %add3A_37 : i32 to index
      %get3A_867 = arith.constant 944 : index
      %get3A_868 = tpu.vector_load %arg9[%get3A_866, %get3A_867] {strides = array<i32>} : memref<32x1024xf32, #tpu.memory_space<vmem>>, vector<1x16xf32>,
      %get3A_869 = vector.shape_cast %get3A_868 : vector<1x16xf32> to vector<16xf32>
      %add3A_870 = arith.addf %get3A_865, %get3A_869 : vector<16xf32>
      %swap3A_871 = arith.index_cast %add3A_37 : i32 to index
      %swap3A_872 = arith.constant 944 : index
      %swap3A_873 = tpu.vector_load %arg8[%swap3A_871, %swap3A_872] {strides = array<i32>} : memref<32x1024xf32, #tpu.memory_space<vmem>>, vector<1x16xf32>,
      %swap3A_874 = vector.shape_cast %swap3A_873 : vector<1x16xf32> to vector<16xf32>
      %swap3A_875 = vector.shape_cast %add3A_870 : vector<16xf32> to vector<1x16xf32>
      tpu.vector_store %arg8[%swap3A_871, %swap3A_872], %swap3A_875 {strides = array<i32>} : memref<32x1024xf32, #tpu.memory_space<vmem>>, vector<1x16xf32>,
      %get3A_876 = arith.index_cast %add3A_37 : i32 to index
      %get3A_877 = arith.constant 960 : index
      %get3A_878 = tpu.vector_load %arg8[%get3A_876, %get3A_877] {strides = array<i32>} : memref<32x1024xf32, #tpu.memory_space<vmem>>, vector<1x16xf32>,
      %get3A_879 = vector.shape_cast %get3A_878 : vector<1x16xf32> to vector<16xf32>
      %get3A_880 = arith.index_cast %add3A_37 : i32 to index
      %get3A_881 = arith.constant 960 : index
      %get3A_882 = tpu.vector_load %arg9[%get3A_880, %get3A_881] {strides = array<i32>} : memref<32x1024xf32, #tpu.memory_space<vmem>>, vector<1x16xf32>,
      %get3A_883 = vector.shape_cast %get3A_882 : vector<1x16xf32> to vector<16xf32>
      %add3A_884 = arith.addf %get3A_879, %get3A_883 : vector<16xf32>
      %swap3A_885 = arith.index_cast %add3A_37 : i32 to index
      %swap3A_886 = arith.constant 960 : index
      %swap3A_887 = tpu.vector_load %arg8[%swap3A_885, %swap3A_886] {strides = array<i32>} : memref<32x1024xf32, #tpu.memory_space<vmem>>, vector<1x16xf32>,
      %swap3A_888 = vector.shape_cast %swap3A_887 : vector<1x16xf32> to vector<16xf32>
      %swap3A_889 = vector.shape_cast %add3A_884 : vector<16xf32> to vector<1x16xf32>
      tpu.vector_store %arg8[%swap3A_885, %swap3A_886], %swap3A_889 {strides = array<i32>} : memref<32x1024xf32, #tpu.memory_space<vmem>>, vector<1x16xf32>,
      %get3A_890 = arith.index_cast %add3A_37 : i32 to index
      %get3A_891 = arith.constant 976 : index
      %get3A_892 = tpu.vector_load %arg8[%get3A_890, %get3A_891] {strides = array<i32>} : memref<32x1024xf32, #tpu.memory_space<vmem>>, vector<1x16xf32>,
      %get3A_893 = vector.shape_cast %get3A_892 : vector<1x16xf32> to vector<16xf32>
      %get3A_894 = arith.index_cast %add3A_37 : i32 to index
      %get3A_895 = arith.constant 976 : index
      %get3A_896 = tpu.vector_load %arg9[%get3A_894, %get3A_895] {strides = array<i32>} : memref<32x1024xf32, #tpu.memory_space<vmem>>, vector<1x16xf32>,
      %get3A_897 = vector.shape_cast %get3A_896 : vector<1x16xf32> to vector<16xf32>
      %add3A_898 = arith.addf %get3A_893, %get3A_897 : vector<16xf32>
      %swap3A_899 = arith.index_cast %add3A_37 : i32 to index
      %swap3A_900 = arith.constant 976 : index
      %swap3A_901 = tpu.vector_load %arg8[%swap3A_899, %swap3A_900] {strides = array<i32>} : memref<32x1024xf32, #tpu.memory_space<vmem>>, vector<1x16xf32>,
      %swap3A_902 = vector.shape_cast %swap3A_901 : vector<1x16xf32> to vector<16xf32>
      %swap3A_903 = vector.shape_cast %add3A_898 : vector<16xf32> to vector<1x16xf32>
      tpu.vector_store %arg8[%swap3A_899, %swap3A_900], %swap3A_903 {strides = array<i32>} : memref<32x1024xf32, #tpu.memory_space<vmem>>, vector<1x16xf32>,
      %get3A_904 = arith.index_cast %add3A_37 : i32 to index
      %get3A_905 = arith.constant 992 : index
      %get3A_906 = tpu.vector_load %arg8[%get3A_904, %get3A_905] {strides = array<i32>} : memref<32x1024xf32, #tpu.memory_space<vmem>>, vector<1x16xf32>,
      %get3A_907 = vector.shape_cast %get3A_906 : vector<1x16xf32> to vector<16xf32>
      %get3A_908 = arith.index_cast %add3A_37 : i32 to index
      %get3A_909 = arith.constant 992 : index
      %get3A_910 = tpu.vector_load %arg9[%get3A_908, %get3A_909] {strides = array<i32>} : memref<32x1024xf32, #tpu.memory_space<vmem>>, vector<1x16xf32>,
      %get3A_911 = vector.shape_cast %get3A_910 : vector<1x16xf32> to vector<16xf32>
      %add3A_912 = arith.addf %get3A_907, %get3A_911 : vector<16xf32>
      %swap3A_913 = arith.index_cast %add3A_37 : i32 to index
      %swap3A_914 = arith.constant 992 : index
      %swap3A_915 = tpu.vector_load %arg8[%swap3A_913, %swap3A_914] {strides = array<i32>} : memref<32x1024xf32, #tpu.memory_space<vmem>>, vector<1x16xf32>,
      %swap3A_916 = vector.shape_cast %swap3A_915 : vector<1x16xf32> to vector<16xf32>
      %swap3A_917 = vector.shape_cast %add3A_912 : vector<16xf32> to vector<1x16xf32>
      tpu.vector_store %arg8[%swap3A_913, %swap3A_914], %swap3A_917 {strides = array<i32>} : memref<32x1024xf32, #tpu.memory_space<vmem>>, vector<1x16xf32>,
      %get3A_918 = arith.index_cast %add3A_37 : i32 to index
      %get3A_919 = arith.constant 1008 : index
      %get3A_920 = tpu.vector_load %arg8[%get3A_918, %get3A_919] {strides = array<i32>} : memref<32x1024xf32, #tpu.memory_space<vmem>>, vector<1x16xf32>,
      %get3A_921 = vector.shape_cast %get3A_920 : vector<1x16xf32> to vector<16xf32>
      %get3A_922 = arith.index_cast %add3A_37 : i32 to index
      %get3A_923 = arith.constant 1008 : index
      %get3A_924 = tpu.vector_load %arg9[%get3A_922, %get3A_923] {strides = array<i32>} : memref<32x1024xf32, #tpu.memory_space<vmem>>, vector<1x16xf32>,
      %get3A_925 = vector.shape_cast %get3A_924 : vector<1x16xf32> to vector<16xf32>
      %add3A_926 = arith.addf %get3A_921, %get3A_925 : vector<16xf32>
      %swap3A_927 = arith.index_cast %add3A_37 : i32 to index
      %swap3A_928 = arith.constant 1008 : index
      %swap3A_929 = tpu.vector_load %arg8[%swap3A_927, %swap3A_928] {strides = array<i32>} : memref<32x1024xf32, #tpu.memory_space<vmem>>, vector<1x16xf32>,
      %swap3A_930 = vector.shape_cast %swap3A_929 : vector<1x16xf32> to vector<16xf32>
      %swap3A_931 = vector.shape_cast %add3A_926 : vector<16xf32> to vector<1x16xf32>
      tpu.vector_store %arg8[%swap3A_927, %swap3A_928], %swap3A_931 {strides = array<i32>} : memref<32x1024xf32, #tpu.memory_space<vmem>>, vector<1x16xf32>,
    }
    %scan3A_24 = arith.constant 32 : i32
    %dma_start3A_25 = arith.constant 0 : i32
    %dma_start3A_26 = tpu.memref_slice %arg5[%mul3A_2, %dma_start3A_25] : memref<1024x1024xf32, #tpu.memory_space<hbm>> -> memref<32x1024xf32, #tpu.memory_space<hbm>>
    %dma_start3A_27 = arith.constant 0 : i32
    %dma_start3A_28 = tpu.memref_slice %arg5[%mul3A_2, %dma_start3A_27] : memref<1024x1024xf32, #tpu.memory_space<hbm>> -> memref<32x1024xf32, #tpu.memory_space<hbm>>
    tpu.enqueue_dma source(%arg8 : memref<32x1024xf32, #tpu.memory_space<vmem>>) target(%dma_start3A_28 : memref<32x1024xf32, #tpu.memory_space<hbm>>) target_semaphore(%arg10 : memref<!tpu.dma_semaphore, #tpu.memory_space<semaphore_mem>>)
    %dma_wait3A_29 = arith.constant 0 : i32
    %dma_wait3A_30 = tpu.memref_slice %arg5[%mul3A_2, %dma_wait3A_29] : memref<1024x1024xf32, #tpu.memory_space<hbm>> -> memref<32x1024xf32, #tpu.memory_space<hbm>>
    %dma_wait3A_31 = arith.constant 0 : i32
    %dma_wait3A_32 = tpu.memref_slice %arg5[%mul3A_2, %dma_wait3A_31] : memref<1024x1024xf32, #tpu.memory_space<hbm>> -> memref<32x1024xf32, #tpu.memory_space<hbm>>
    tpu.wait_dma2 semaphore(%arg10 : memref<!tpu.dma_semaphore, #tpu.memory_space<semaphore_mem>>) src(%arg8 : memref<32x1024xf32, #tpu.memory_space<vmem>>) dst(%dma_wait3A_32 : memref<32x1024xf32, #tpu.memory_space<hbm>>)
    return
  }
}

#map = affine_map<(d0, d1) -> (0, 0)>
#map1 = affine_map<(d0, d1) -> (0)>
module attributes {stable_mosaic.version = 14 : i64} {
  func.func @_gather_rows(%arg0: i32, %arg1: i32, %arg2: memref<1024x1024xf32, #tpu.memory_space<hbm>>, %arg3: memref<2048xi32, #tpu.memory_space<hbm>>, %arg4: memref<2048xf32, #tpu.memory_space<hbm>>, %arg5: memref<3072x1024xf32, #tpu.memory_space<hbm>>, %arg6: memref<3072xf32, #tpu.memory_space<hbm>>, %arg7: memref<2048xi32, #tpu.memory_space<vmem>>, %arg8: memref<2048xf32, #tpu.memory_space<vmem>>, %arg9: memref<96xi32, #tpu.memory_space<vmem>>, %arg10: memref<96xf32, #tpu.memory_space<vmem>>, %arg11: memref<96x1024xf32, #tpu.memory_space<vmem>>, %arg12: memref<!tpu.dma_semaphore, #tpu.memory_space<semaphore_mem>>, %arg13: memref<!tpu.dma_semaphore, #tpu.memory_space<semaphore_mem>>) attributes {dimension_semantics = [#tpu.dimension_semantics<core_parallel>, #tpu.dimension_semantics<subcore_parallel>], iteration_bounds = array<i64: 2, 16>, scalar_prefetch = 0 : i64, scratch_operands = 7 : i64, tpu.core_type = #tpu.core_type<sc_vector_subcore>, window_params = [{transform_indices = #map}, {transform_indices = #map1}, {transform_indices = #map1}, {transform_indices = #map}, {transform_indices = #map1}]} {
    %mul3A = arith.constant 2 : i32
    %mul3A_0 = arith.muli %arg1, %mul3A : i32
    %add3A = arith.addi %mul3A_0, %arg0 : i32
    %mul3A_1 = arith.constant 96 : i32
    %mul3A_2 = arith.muli %add3A, %mul3A_1 : i32
    tpu.enqueue_dma source(%arg3 : memref<2048xi32, #tpu.memory_space<hbm>>) target(%arg7 : memref<2048xi32, #tpu.memory_space<vmem>>) target_semaphore(%arg12 : memref<!tpu.dma_semaphore, #tpu.memory_space<semaphore_mem>>)
    tpu.enqueue_dma source(%arg4 : memref<2048xf32, #tpu.memory_space<hbm>>) target(%arg8 : memref<2048xf32, #tpu.memory_space<vmem>>) target_semaphore(%arg13 : memref<!tpu.dma_semaphore, #tpu.memory_space<semaphore_mem>>)
    tpu.wait_dma2 semaphore(%arg12 : memref<!tpu.dma_semaphore, #tpu.memory_space<semaphore_mem>>) src(%arg3 : memref<2048xi32, #tpu.memory_space<hbm>>) dst(%arg7 : memref<2048xi32, #tpu.memory_space<vmem>>)
    tpu.wait_dma2 semaphore(%arg13 : memref<!tpu.dma_semaphore, #tpu.memory_space<semaphore_mem>>) src(%arg4 : memref<2048xf32, #tpu.memory_space<hbm>>) dst(%arg8 : memref<2048xf32, #tpu.memory_space<vmem>>)
    %scan3A = arith.constant 0 : i32
    %scan3A_3 = arith.constant 6 : i32
    %scan3A_4 = arith.addi %scan3A, %scan3A_3 : i32
    %scan3A_5 = arith.constant 1 : i32
    scf.for %scan3A_28 = %scan3A to %scan3A_4 step %scan3A_5  : i32 {
      %mul3A_29 = arith.constant 1 : i32
      %mul3A_30 = arith.muli %scan3A_28, %mul3A_29 : i32
      %add3A_31 = arith.constant 0 : i32
      %add3A_32 = arith.addi %add3A_31, %mul3A_30 : i32
      %iota3A = tpu.iota {dimensions = array<i32: 0>} : vector<16xi32>
      %mul3A_33 = arith.constant 16 : i32
      %mul3A_34 = arith.muli %add3A_32, %mul3A_33 : i32
      %add3A_35 = arith.addi %mul3A_2, %mul3A_34 : i32
      %add3A_36 = vector.broadcast %add3A_35 : i32 to vector<16xi32>
      %add3A_37 = arith.addi %iota3A, %add3A_36 : vector<16xi32>
      %and3A = arith.constant 1023 : i32
      %and3A_38 = vector.broadcast %and3A : i32 to vector<16xi32>
      %and3A_39 = arith.andi %add3A_37, %and3A_38 : vector<16xi32>
      %mul3A_40 = arith.constant 16 : i32
      %mul3A_41 = arith.muli %add3A_32, %mul3A_40 : i32
      %swap3A = arith.index_cast %mul3A_41 : i32 to index
      %swap3A_42 = tpu.vector_load %arg9[%swap3A] {strides = array<i32>} : memref<96xi32, #tpu.memory_space<vmem>>, vector<16xi32>,
      tpu.vector_store %arg9[%swap3A], %and3A_39 {strides = array<i32>} : memref<96xi32, #tpu.memory_space<vmem>>, vector<16xi32>,
      %broadcast_in_dim3A = arith.constant 0.000000e+00 : f32
      %broadcast_in_dim3A_43 = vector.broadcast %broadcast_in_dim3A : f32 to vector<16xf32>
      %mul3A_44 = arith.constant 16 : i32
      %mul3A_45 = arith.muli %add3A_32, %mul3A_44 : i32
      %swap3A_46 = arith.index_cast %mul3A_45 : i32 to index
      %swap3A_47 = tpu.vector_load %arg10[%swap3A_46] {strides = array<i32>} : memref<96xf32, #tpu.memory_space<vmem>>, vector<16xf32>,
      tpu.vector_store %arg10[%swap3A_46], %broadcast_in_dim3A_43 {strides = array<i32>} : memref<96xf32, #tpu.memory_space<vmem>>, vector<16xf32>,
    }
    %scan3A_6 = arith.constant 6 : i32
    %scan3A_7 = arith.constant 0 : i32
    %scan3A_8 = arith.constant 128 : i32
    %scan3A_9 = arith.addi %scan3A_7, %scan3A_8 : i32
    %scan3A_10 = arith.constant 1 : i32
    scf.for %scan3A_28 = %scan3A_7 to %scan3A_9 step %scan3A_10  : i32 {
      %mul3A_29 = arith.constant 1 : i32
      %mul3A_30 = arith.muli %scan3A_28, %mul3A_29 : i32
      %add3A_31 = arith.constant 0 : i32
      %add3A_32 = arith.addi %add3A_31, %mul3A_30 : i32
      %mul3A_33 = arith.constant 16 : i32
      %mul3A_34 = arith.muli %add3A_32, %mul3A_33 : i32
      %get3A = arith.index_cast %mul3A_34 : i32 to index
      %get3A_35 = tpu.vector_load %arg7[%get3A] {strides = array<i32>} : memref<2048xi32, #tpu.memory_space<vmem>>, vector<16xi32>,
      %sub3A = vector.broadcast %mul3A_2 : i32 to vector<16xi32>
      %sub3A_36 = arith.subi %get3A_35, %sub3A : vector<16xi32>
      %ge3A = arith.constant 0 : i32
      %ge3A_37 = vector.broadcast %ge3A : i32 to vector<16xi32>
      %ge3A_38 = arith.cmpi sge, %sub3A_36, %ge3A_37 : vector<16xi32>
      %lt3A = arith.constant 96 : i32
      %lt3A_39 = vector.broadcast %lt3A : i32 to vector<16xi32>
      %lt3A_40 = arith.cmpi slt, %sub3A_36, %lt3A_39 : vector<16xi32>
      %and3A = arith.andi %ge3A_38, %lt3A_40 : vector<16xi1>
      %max3A = arith.constant 0 : i32
      %max3A_41 = vector.broadcast %max3A : i32 to vector<16xi32>
      %max3A_42 = arith.maxsi %sub3A_36, %max3A_41 : vector<16xi32>
      %min3A = arith.constant 95 : i32
      %min3A_43 = vector.broadcast %min3A : i32 to vector<16xi32>
      %min3A_44 = arith.minsi %max3A_42, %min3A_43 : vector<16xi32>
      %iota3A = tpu.iota {dimensions = array<i32: 0>} : vector<16xi32>
      %mul3A_45 = arith.constant 16 : i32
      %mul3A_46 = arith.muli %add3A_32, %mul3A_45 : i32
      %add3A_47 = vector.broadcast %mul3A_46 : i32 to vector<16xi32>
      %add3A_48 = arith.addi %iota3A, %add3A_47 : vector<16xi32>
      %and3A_49 = arith.constant 1023 : i32
      %and3A_50 = vector.broadcast %and3A_49 : i32 to vector<16xi32>
      %and3A_51 = arith.andi %add3A_48, %and3A_50 : vector<16xi32>
      tpu.vector_store_idx %arg9[%min3A_44], %and3A_51 masked %and3A : memref<96xi32, #tpu.memory_space<vmem>>[vector<16xi32>], vector<16xi32>, vector<16xi1>
      %mul3A_52 = arith.constant 16 : i32
      %mul3A_53 = arith.muli %add3A_32, %mul3A_52 : i32
      %get3A_54 = arith.index_cast %mul3A_53 : i32 to index
      %get3A_55 = tpu.vector_load %arg8[%get3A_54] {strides = array<i32>} : memref<2048xf32, #tpu.memory_space<vmem>>, vector<16xf32>,
      tpu.vector_store_idx %arg10[%min3A_44], %get3A_55 masked %and3A : memref<96xf32, #tpu.memory_space<vmem>>[vector<16xi32>], vector<16xf32>, vector<16xi1>
    }
    %scan3A_11 = arith.constant 128 : i32
    %dma_start3A = arith.constant 0 : i32
    %dma_start3A_12 = arith.constant 0 : i32
    %dma_start3A_13 = tpu.memref_slice %arg2[%dma_start3A, %dma_start3A_12] : memref<1024x1024xf32, #tpu.memory_space<hbm>> -> memref<1024x1024xf32, #tpu.memory_space<hbm>>
    tpu.enqueue_indirect_dma source(%dma_start3A_13 : memref<1024x1024xf32, #tpu.memory_space<hbm>>) target(%arg11 : memref<96x1024xf32, #tpu.memory_space<vmem>>) offsets(%arg9 : memref<96xi32, #tpu.memory_space<vmem>>) semaphore(%arg12 : memref<!tpu.dma_semaphore, #tpu.memory_space<semaphore_mem>>)
    %dma_wait3A = arith.constant 0 : i32
    %dma_wait3A_14 = arith.constant 0 : i32
    %dma_wait3A_15 = tpu.memref_slice %arg2[%dma_wait3A, %dma_wait3A_14] : memref<1024x1024xf32, #tpu.memory_space<hbm>> -> memref<1024x1024xf32, #tpu.memory_space<hbm>>
    tpu.wait_indirect_dma semaphore(%arg12 : memref<!tpu.dma_semaphore, #tpu.memory_space<semaphore_mem>>) src(%dma_wait3A_15 : memref<1024x1024xf32, #tpu.memory_space<hbm>>) dst(%arg11 : memref<96x1024xf32, #tpu.memory_space<vmem>>)
    %dma_start3A_16 = arith.constant 0 : i32
    %dma_start3A_17 = tpu.memref_slice %arg5[%mul3A_2, %dma_start3A_16] : memref<3072x1024xf32, #tpu.memory_space<hbm>> -> memref<96x1024xf32, #tpu.memory_space<hbm>>
    %dma_start3A_18 = arith.constant 0 : i32
    %dma_start3A_19 = tpu.memref_slice %arg5[%mul3A_2, %dma_start3A_18] : memref<3072x1024xf32, #tpu.memory_space<hbm>> -> memref<96x1024xf32, #tpu.memory_space<hbm>>
    tpu.enqueue_dma source(%arg11 : memref<96x1024xf32, #tpu.memory_space<vmem>>) target(%dma_start3A_19 : memref<96x1024xf32, #tpu.memory_space<hbm>>) target_semaphore(%arg12 : memref<!tpu.dma_semaphore, #tpu.memory_space<semaphore_mem>>)
    %dma_start3A_20 = tpu.memref_slice %arg6[%mul3A_2] : memref<3072xf32, #tpu.memory_space<hbm>> -> memref<96xf32, #tpu.memory_space<hbm>>
    %dma_start3A_21 = tpu.memref_slice %arg6[%mul3A_2] : memref<3072xf32, #tpu.memory_space<hbm>> -> memref<96xf32, #tpu.memory_space<hbm>>
    tpu.enqueue_dma source(%arg10 : memref<96xf32, #tpu.memory_space<vmem>>) target(%dma_start3A_21 : memref<96xf32, #tpu.memory_space<hbm>>) target_semaphore(%arg13 : memref<!tpu.dma_semaphore, #tpu.memory_space<semaphore_mem>>)
    %dma_wait3A_22 = arith.constant 0 : i32
    %dma_wait3A_23 = tpu.memref_slice %arg5[%mul3A_2, %dma_wait3A_22] : memref<3072x1024xf32, #tpu.memory_space<hbm>> -> memref<96x1024xf32, #tpu.memory_space<hbm>>
    %dma_wait3A_24 = arith.constant 0 : i32
    %dma_wait3A_25 = tpu.memref_slice %arg5[%mul3A_2, %dma_wait3A_24] : memref<3072x1024xf32, #tpu.memory_space<hbm>> -> memref<96x1024xf32, #tpu.memory_space<hbm>>
    tpu.wait_dma2 semaphore(%arg12 : memref<!tpu.dma_semaphore, #tpu.memory_space<semaphore_mem>>) src(%arg11 : memref<96x1024xf32, #tpu.memory_space<vmem>>) dst(%dma_wait3A_25 : memref<96x1024xf32, #tpu.memory_space<hbm>>)
    %dma_wait3A_26 = tpu.memref_slice %arg6[%mul3A_2] : memref<3072xf32, #tpu.memory_space<hbm>> -> memref<96xf32, #tpu.memory_space<hbm>>
    %dma_wait3A_27 = tpu.memref_slice %arg6[%mul3A_2] : memref<3072xf32, #tpu.memory_space<hbm>> -> memref<96xf32, #tpu.memory_space<hbm>>
    tpu.wait_dma2 semaphore(%arg13 : memref<!tpu.dma_semaphore, #tpu.memory_space<semaphore_mem>>) src(%arg10 : memref<96xf32, #tpu.memory_space<vmem>>) dst(%dma_wait3A_27 : memref<96xf32, #tpu.memory_space<hbm>>)
    return
  }
}

module attributes {stable_mosaic.version = 14 : i64} {
  func.func @_router_kernel(%arg0: i32, %arg1: memref<1024x8xf32, #tpu.memory_space<vmem>>, %arg2: memref<2048x1xi32, #tpu.memory_space<vmem>>, %arg3: memref<2048x1xf32, #tpu.memory_space<vmem>>, %arg4: memref<24x1xi32, #tpu.memory_space<vmem>>, %arg5: memref<24x1xi32, #tpu.memory_space<vmem>>) attributes {dimension_semantics = [#tpu.dimension_semantics<arbitrary>], iteration_bounds = array<i64: 1>, scalar_prefetch = 0 : i64, scratch_operands = 0 : i64, tpu.core_type = #tpu.core_type<tc>, window_params = [{pipeline_mode = #tpu.pipeline_mode<synchronous>, transform_indices = @transform_0, window_bounds = array<i64: 1024, 8>}, {pipeline_mode = #tpu.pipeline_mode<synchronous>, transform_indices = @transform_1, window_bounds = array<i64: 2048, 1>}, {pipeline_mode = #tpu.pipeline_mode<synchronous>, transform_indices = @transform_2, window_bounds = array<i64: 2048, 1>}, {pipeline_mode = #tpu.pipeline_mode<synchronous>, transform_indices = @transform_3, window_bounds = array<i64: 24, 1>}, {pipeline_mode = #tpu.pipeline_mode<synchronous>, transform_indices = @transform_4, window_bounds = array<i64: 24, 1>}]} {
    %get3A = arith.constant 0 : index
    %get3A_0 = arith.constant 0 : index
    %get3A_1 = vector.load %arg1[%get3A, %get3A_0] : memref<1024x8xf32, #tpu.memory_space<vmem>>, vector<1024x8xf32>
    %reduce_max3A = arith.constant dense<0xFF800000> : vector<1024xf32>
    %reduce_max3A_2 = vector.multi_reduction <maximumf>, %get3A_1, %reduce_max3A [1] : vector<1024x8xf32> to vector<1024xf32>
    %broadcast_in_dim3A = vector.shape_cast %reduce_max3A_2 : vector<1024xf32> to vector<1024x1xf32>
    %sub3A = vector.broadcast %broadcast_in_dim3A : vector<1024x1xf32> to vector<1024x8xf32>
    %sub3A_3 = arith.subf %get3A_1, %sub3A : vector<1024x8xf32>
    %exp3A = math.exp %sub3A_3 : vector<1024x8xf32>
    %reduce_sum3A = arith.constant dense<0.000000e+00> : vector<1024xf32>
    %reduce_sum3A_4 = vector.multi_reduction <add>, %exp3A, %reduce_sum3A [1] : vector<1024x8xf32> to vector<1024xf32>
    %broadcast_in_dim3A_5 = vector.shape_cast %reduce_sum3A_4 : vector<1024xf32> to vector<1024x1xf32>
    %div3A = vector.broadcast %broadcast_in_dim3A_5 : vector<1024x1xf32> to vector<1024x8xf32>
    %div3A_6 = arith.divf %exp3A, %div3A : vector<1024x8xf32>
    %iota3A = tpu.iota {dimensions = array<i32: 1>} : vector<1024x8xi32>
    %reduce_max3A_7 = arith.constant dense<0xFF800000> : vector<1024xf32>
    %reduce_max3A_8 = vector.multi_reduction <maximumf>, %div3A_6, %reduce_max3A_7 [1] : vector<1024x8xf32> to vector<1024xf32>
    %broadcast_in_dim3A_9 = vector.shape_cast %reduce_max3A_8 : vector<1024xf32> to vector<1024x1xf32>
    %eq3A = vector.broadcast %broadcast_in_dim3A_9 : vector<1024x1xf32> to vector<1024x8xf32>
    %eq3A_10 = arith.cmpf oeq, %div3A_6, %eq3A : vector<1024x8xf32>
    %jit3A = arith.constant 8 : i32
    %broadcast_in_dim3A_11 = vector.broadcast %jit3A : i32 to vector<1024x8xi32>
    %select_n3A = arith.select %eq3A_10, %iota3A, %broadcast_in_dim3A_11 : vector<1024x8xi1>, vector<1024x8xi32>
    %reduce_min3A = arith.constant dense<2147483647> : vector<1024xi32>
    %reduce_min3A_12 = vector.multi_reduction <minsi>, %select_n3A, %reduce_min3A [1] : vector<1024x8xi32> to vector<1024xi32>
    %broadcast_in_dim3A_13 = vector.shape_cast %reduce_min3A_12 : vector<1024xi32> to vector<1024x1xi32>
    %eq3A_14 = vector.broadcast %broadcast_in_dim3A_13 : vector<1024x1xi32> to vector<1024x8xi32>
    %eq3A_15 = arith.cmpi eq, %iota3A, %eq3A_14 : vector<1024x8xi32>
    %jit3A_16 = arith.constant -1.000000e+00 : f32
    %broadcast_in_dim3A_17 = vector.broadcast %jit3A_16 : f32 to vector<1024x8xf32>
    %select_n3A_18 = arith.select %eq3A_15, %broadcast_in_dim3A_17, %div3A_6 : vector<1024x8xi1>, vector<1024x8xf32>
    %reduce_max3A_19 = arith.constant dense<0xFF800000> : vector<1024xf32>
    %reduce_max3A_20 = vector.multi_reduction <maximumf>, %select_n3A_18, %reduce_max3A_19 [1] : vector<1024x8xf32> to vector<1024xf32>
    %broadcast_in_dim3A_21 = vector.shape_cast %reduce_max3A_20 : vector<1024xf32> to vector<1024x1xf32>
    %eq3A_22 = vector.broadcast %broadcast_in_dim3A_21 : vector<1024x1xf32> to vector<1024x8xf32>
    %eq3A_23 = arith.cmpf oeq, %select_n3A_18, %eq3A_22 : vector<1024x8xf32>
    %jit3A_24 = arith.constant 8 : i32
    %broadcast_in_dim3A_25 = vector.broadcast %jit3A_24 : i32 to vector<1024x8xi32>
    %select_n3A_26 = arith.select %eq3A_23, %iota3A, %broadcast_in_dim3A_25 : vector<1024x8xi1>, vector<1024x8xi32>
    %reduce_min3A_27 = arith.constant dense<2147483647> : vector<1024xi32>
    %reduce_min3A_28 = vector.multi_reduction <minsi>, %select_n3A_26, %reduce_min3A_27 [1] : vector<1024x8xi32> to vector<1024xi32>
    %broadcast_in_dim3A_29 = vector.shape_cast %reduce_min3A_28 : vector<1024xi32> to vector<1024x1xi32>
    %add3A = arith.addf %broadcast_in_dim3A_9, %broadcast_in_dim3A_21 : vector<1024x1xf32>
    %div3A_30 = arith.divf %broadcast_in_dim3A_9, %add3A : vector<1024x1xf32>
    %div3A_31 = arith.divf %broadcast_in_dim3A_21, %add3A : vector<1024x1xf32>
    %concatenate3A = tpu.concatenate %div3A_30, %div3A_31 in 0 : vector<1024x1xf32>, vector<1024x1xf32> -> vector<2048x1xf32>
    %swap3A = arith.constant 0 : index
    %swap3A_32 = arith.constant 0 : index
    %swap3A_33 = vector.load %arg3[%swap3A, %swap3A_32] : memref<2048x1xf32, #tpu.memory_space<vmem>>, vector<2048x1xf32>
    tpu.vector_store %arg3[%swap3A, %swap3A_32], %concatenate3A {strides = array<i32>} : memref<2048x1xf32, #tpu.memory_space<vmem>>, vector<2048x1xf32>,
    %concatenate3A_34 = tpu.concatenate %broadcast_in_dim3A_13, %broadcast_in_dim3A_29 in 0 : vector<1024x1xi32>, vector<1024x1xi32> -> vector<2048x1xi32>
    %iota3A_35 = tpu.iota {dimensions = array<i32: 1>} : vector<2048x8xi32>
    %eq3A_36 = vector.broadcast %concatenate3A_34 : vector<2048x1xi32> to vector<2048x8xi32>
    %eq3A_37 = arith.cmpi eq, %eq3A_36, %iota3A_35 : vector<2048x8xi32>
    %convert_element_type3A = arith.extui %eq3A_37 : vector<2048x8xi1> to vector<2048x8xi32>
    %convert_element_type3A_38 = arith.sitofp %convert_element_type3A : vector<2048x8xi32> to vector<2048x8xf32>
    %convert_element_type3A_39 = arith.truncf %convert_element_type3A_38 : vector<2048x8xf32> to vector<2048x8xbf16>
    %iota3A_40 = tpu.iota {dimensions = array<i32: 0>} : vector<256x256xi32>
    %iota3A_41 = tpu.iota {dimensions = array<i32: 1>} : vector<256x256xi32>
    %gt3A = arith.cmpi sgt, %iota3A_40, %iota3A_41 : vector<256x256xi32>
    %convert_element_type3A_42 = arith.extui %gt3A : vector<256x256xi1> to vector<256x256xi32>
    %convert_element_type3A_43 = arith.sitofp %convert_element_type3A_42 : vector<256x256xi32> to vector<256x256xf32>
    %convert_element_type3A_44 = arith.truncf %convert_element_type3A_43 : vector<256x256xf32> to vector<256x256xbf16>
    %broadcast_in_dim3A_45 = arith.constant 0.000000e+00 : f32
    %broadcast_in_dim3A_46 = vector.broadcast %broadcast_in_dim3A_45 : f32 to vector<1x8xf32>
    %slice3A = vector.extract_strided_slice %convert_element_type3A_39 {offsets = [0, 0], sizes = [256, 8], strides = [1, 1]} : vector<2048x8xbf16> to vector<256x8xbf16>
    %dot_general3A = arith.constant dense<0.000000e+00> : vector<256x8xf32>
    %dot_general3A_47 = tpu.matmul %convert_element_type3A_44, %slice3A, %dot_general3A {dimension_numbers = #tpu.dot_dimension_numbers<[1], [0], [0], [1], [0, 0, 1, 1], [], []>, transpose_lhs_hint = false} : vector<256x256xbf16>, vector<256x8xbf16>, vector<256x8xf32> -> vector<256x8xf32>
    %add3A_48 = vector.broadcast %broadcast_in_dim3A_46 : vector<1x8xf32> to vector<256x8xf32>
    %add3A_49 = arith.addf %dot_general3A_47, %add3A_48 : vector<256x8xf32>
    %convert_element_type3A_50 = arith.extf %slice3A : vector<256x8xbf16> to vector<256x8xf32>
    %reduce_sum3A_51 = arith.constant dense<0.000000e+00> : vector<8xf32>
    %reduce_sum3A_52 = vector.multi_reduction <add>, %convert_element_type3A_50, %reduce_sum3A_51 [0] : vector<256x8xf32> to vector<8xf32>
    %broadcast_in_dim3A_53 = vector.shape_cast %reduce_sum3A_52 : vector<8xf32> to vector<1x8xf32>
    %add3A_54 = arith.addf %broadcast_in_dim3A_46, %broadcast_in_dim3A_53 : vector<1x8xf32>
    %slice3A_55 = vector.extract_strided_slice %convert_element_type3A_39 {offsets = [256, 0], sizes = [256, 8], strides = [1, 1]} : vector<2048x8xbf16> to vector<256x8xbf16>
    %dot_general3A_56 = arith.constant dense<0.000000e+00> : vector<256x8xf32>
    %dot_general3A_57 = tpu.matmul %convert_element_type3A_44, %slice3A_55, %dot_general3A_56 {dimension_numbers = #tpu.dot_dimension_numbers<[1], [0], [0], [1], [0, 0, 1, 1], [], []>, transpose_lhs_hint = false} : vector<256x256xbf16>, vector<256x8xbf16>, vector<256x8xf32> -> vector<256x8xf32>
    %add3A_58 = vector.broadcast %add3A_54 : vector<1x8xf32> to vector<256x8xf32>
    %add3A_59 = arith.addf %dot_general3A_57, %add3A_58 : vector<256x8xf32>
    %convert_element_type3A_60 = arith.extf %slice3A_55 : vector<256x8xbf16> to vector<256x8xf32>
    %reduce_sum3A_61 = arith.constant dense<0.000000e+00> : vector<8xf32>
    %reduce_sum3A_62 = vector.multi_reduction <add>, %convert_element_type3A_60, %reduce_sum3A_61 [0] : vector<256x8xf32> to vector<8xf32>
    %broadcast_in_dim3A_63 = vector.shape_cast %reduce_sum3A_62 : vector<8xf32> to vector<1x8xf32>
    %add3A_64 = arith.addf %add3A_54, %broadcast_in_dim3A_63 : vector<1x8xf32>
    %slice3A_65 = vector.extract_strided_slice %convert_element_type3A_39 {offsets = [512, 0], sizes = [256, 8], strides = [1, 1]} : vector<2048x8xbf16> to vector<256x8xbf16>
    %dot_general3A_66 = arith.constant dense<0.000000e+00> : vector<256x8xf32>
    %dot_general3A_67 = tpu.matmul %convert_element_type3A_44, %slice3A_65, %dot_general3A_66 {dimension_numbers = #tpu.dot_dimension_numbers<[1], [0], [0], [1], [0, 0, 1, 1], [], []>, transpose_lhs_hint = false} : vector<256x256xbf16>, vector<256x8xbf16>, vector<256x8xf32> -> vector<256x8xf32>
    %add3A_68 = vector.broadcast %add3A_64 : vector<1x8xf32> to vector<256x8xf32>
    %add3A_69 = arith.addf %dot_general3A_67, %add3A_68 : vector<256x8xf32>
    %convert_element_type3A_70 = arith.extf %slice3A_65 : vector<256x8xbf16> to vector<256x8xf32>
    %reduce_sum3A_71 = arith.constant dense<0.000000e+00> : vector<8xf32>
    %reduce_sum3A_72 = vector.multi_reduction <add>, %convert_element_type3A_70, %reduce_sum3A_71 [0] : vector<256x8xf32> to vector<8xf32>
    %broadcast_in_dim3A_73 = vector.shape_cast %reduce_sum3A_72 : vector<8xf32> to vector<1x8xf32>
    %add3A_74 = arith.addf %add3A_64, %broadcast_in_dim3A_73 : vector<1x8xf32>
    %slice3A_75 = vector.extract_strided_slice %convert_element_type3A_39 {offsets = [768, 0], sizes = [256, 8], strides = [1, 1]} : vector<2048x8xbf16> to vector<256x8xbf16>
    %dot_general3A_76 = arith.constant dense<0.000000e+00> : vector<256x8xf32>
    %dot_general3A_77 = tpu.matmul %convert_element_type3A_44, %slice3A_75, %dot_general3A_76 {dimension_numbers = #tpu.dot_dimension_numbers<[1], [0], [0], [1], [0, 0, 1, 1], [], []>, transpose_lhs_hint = false} : vector<256x256xbf16>, vector<256x8xbf16>, vector<256x8xf32> -> vector<256x8xf32>
    %add3A_78 = vector.broadcast %add3A_74 : vector<1x8xf32> to vector<256x8xf32>
    %add3A_79 = arith.addf %dot_general3A_77, %add3A_78 : vector<256x8xf32>
    %convert_element_type3A_80 = arith.extf %slice3A_75 : vector<256x8xbf16> to vector<256x8xf32>
    %reduce_sum3A_81 = arith.constant dense<0.000000e+00> : vector<8xf32>
    %reduce_sum3A_82 = vector.multi_reduction <add>, %convert_element_type3A_80, %reduce_sum3A_81 [0] : vector<256x8xf32> to vector<8xf32>
    %broadcast_in_dim3A_83 = vector.shape_cast %reduce_sum3A_82 : vector<8xf32> to vector<1x8xf32>
    %add3A_84 = arith.addf %add3A_74, %broadcast_in_dim3A_83 : vector<1x8xf32>
    %slice3A_85 = vector.extract_strided_slice %convert_element_type3A_39 {offsets = [1024, 0], sizes = [256, 8], strides = [1, 1]} : vector<2048x8xbf16> to vector<256x8xbf16>
    %dot_general3A_86 = arith.constant dense<0.000000e+00> : vector<256x8xf32>
    %dot_general3A_87 = tpu.matmul %convert_element_type3A_44, %slice3A_85, %dot_general3A_86 {dimension_numbers = #tpu.dot_dimension_numbers<[1], [0], [0], [1], [0, 0, 1, 1], [], []>, transpose_lhs_hint = false} : vector<256x256xbf16>, vector<256x8xbf16>, vector<256x8xf32> -> vector<256x8xf32>
    %add3A_88 = vector.broadcast %add3A_84 : vector<1x8xf32> to vector<256x8xf32>
    %add3A_89 = arith.addf %dot_general3A_87, %add3A_88 : vector<256x8xf32>
    %convert_element_type3A_90 = arith.extf %slice3A_85 : vector<256x8xbf16> to vector<256x8xf32>
    %reduce_sum3A_91 = arith.constant dense<0.000000e+00> : vector<8xf32>
    %reduce_sum3A_92 = vector.multi_reduction <add>, %convert_element_type3A_90, %reduce_sum3A_91 [0] : vector<256x8xf32> to vector<8xf32>
    %broadcast_in_dim3A_93 = vector.shape_cast %reduce_sum3A_92 : vector<8xf32> to vector<1x8xf32>
    %add3A_94 = arith.addf %add3A_84, %broadcast_in_dim3A_93 : vector<1x8xf32>
    %slice3A_95 = vector.extract_strided_slice %convert_element_type3A_39 {offsets = [1280, 0], sizes = [256, 8], strides = [1, 1]} : vector<2048x8xbf16> to vector<256x8xbf16>
    %dot_general3A_96 = arith.constant dense<0.000000e+00> : vector<256x8xf32>
    %dot_general3A_97 = tpu.matmul %convert_element_type3A_44, %slice3A_95, %dot_general3A_96 {dimension_numbers = #tpu.dot_dimension_numbers<[1], [0], [0], [1], [0, 0, 1, 1], [], []>, transpose_lhs_hint = false} : vector<256x256xbf16>, vector<256x8xbf16>, vector<256x8xf32> -> vector<256x8xf32>
    %add3A_98 = vector.broadcast %add3A_94 : vector<1x8xf32> to vector<256x8xf32>
    %add3A_99 = arith.addf %dot_general3A_97, %add3A_98 : vector<256x8xf32>
    %convert_element_type3A_100 = arith.extf %slice3A_95 : vector<256x8xbf16> to vector<256x8xf32>
    %reduce_sum3A_101 = arith.constant dense<0.000000e+00> : vector<8xf32>
    %reduce_sum3A_102 = vector.multi_reduction <add>, %convert_element_type3A_100, %reduce_sum3A_101 [0] : vector<256x8xf32> to vector<8xf32>
    %broadcast_in_dim3A_103 = vector.shape_cast %reduce_sum3A_102 : vector<8xf32> to vector<1x8xf32>
    %add3A_104 = arith.addf %add3A_94, %broadcast_in_dim3A_103 : vector<1x8xf32>
    %slice3A_105 = vector.extract_strided_slice %convert_element_type3A_39 {offsets = [1536, 0], sizes = [256, 8], strides = [1, 1]} : vector<2048x8xbf16> to vector<256x8xbf16>
    %dot_general3A_106 = arith.constant dense<0.000000e+00> : vector<256x8xf32>
    %dot_general3A_107 = tpu.matmul %convert_element_type3A_44, %slice3A_105, %dot_general3A_106 {dimension_numbers = #tpu.dot_dimension_numbers<[1], [0], [0], [1], [0, 0, 1, 1], [], []>, transpose_lhs_hint = false} : vector<256x256xbf16>, vector<256x8xbf16>, vector<256x8xf32> -> vector<256x8xf32>
    %add3A_108 = vector.broadcast %add3A_104 : vector<1x8xf32> to vector<256x8xf32>
    %add3A_109 = arith.addf %dot_general3A_107, %add3A_108 : vector<256x8xf32>
    %convert_element_type3A_110 = arith.extf %slice3A_105 : vector<256x8xbf16> to vector<256x8xf32>
    %reduce_sum3A_111 = arith.constant dense<0.000000e+00> : vector<8xf32>
    %reduce_sum3A_112 = vector.multi_reduction <add>, %convert_element_type3A_110, %reduce_sum3A_111 [0] : vector<256x8xf32> to vector<8xf32>
    %broadcast_in_dim3A_113 = vector.shape_cast %reduce_sum3A_112 : vector<8xf32> to vector<1x8xf32>
    %add3A_114 = arith.addf %add3A_104, %broadcast_in_dim3A_113 : vector<1x8xf32>
    %slice3A_115 = vector.extract_strided_slice %convert_element_type3A_39 {offsets = [1792, 0], sizes = [256, 8], strides = [1, 1]} : vector<2048x8xbf16> to vector<256x8xbf16>
    %dot_general3A_116 = arith.constant dense<0.000000e+00> : vector<256x8xf32>
    %dot_general3A_117 = tpu.matmul %convert_element_type3A_44, %slice3A_115, %dot_general3A_116 {dimension_numbers = #tpu.dot_dimension_numbers<[1], [0], [0], [1], [0, 0, 1, 1], [], []>, transpose_lhs_hint = false} : vector<256x256xbf16>, vector<256x8xbf16>, vector<256x8xf32> -> vector<256x8xf32>
    %add3A_118 = vector.broadcast %add3A_114 : vector<1x8xf32> to vector<256x8xf32>
    %add3A_119 = arith.addf %dot_general3A_117, %add3A_118 : vector<256x8xf32>
    %convert_element_type3A_120 = arith.extf %slice3A_115 : vector<256x8xbf16> to vector<256x8xf32>
    %reduce_sum3A_121 = arith.constant dense<0.000000e+00> : vector<8xf32>
    %reduce_sum3A_122 = vector.multi_reduction <add>, %convert_element_type3A_120, %reduce_sum3A_121 [0] : vector<256x8xf32> to vector<8xf32>
    %broadcast_in_dim3A_123 = vector.shape_cast %reduce_sum3A_122 : vector<8xf32> to vector<1x8xf32>
    %add3A_124 = arith.addf %add3A_114, %broadcast_in_dim3A_123 : vector<1x8xf32>
    %concatenate3A_125 = tpu.concatenate %add3A_49, %add3A_59, %add3A_69, %add3A_79, %add3A_89, %add3A_99, %add3A_109, %add3A_119 in 0 : vector<256x8xf32>, vector<256x8xf32>, vector<256x8xf32>, vector<256x8xf32>, vector<256x8xf32>, vector<256x8xf32>, vector<256x8xf32>, vector<256x8xf32> -> vector<2048x8xf32>
    %convert_element_type3A_126 = arith.fptosi %concatenate3A_125 : vector<2048x8xf32> to vector<2048x8xi32>
    %convert_element_type3A_127 = arith.fptosi %add3A_124 : vector<1x8xf32> to vector<1x8xi32>
    %add3A_128 = arith.constant 127 : i32
    %add3A_129 = vector.broadcast %add3A_128 : i32 to vector<1x8xi32>
    %add3A_130 = arith.addi %convert_element_type3A_127, %add3A_129 : vector<1x8xi32>
    %shift_right_arithmetic3A = arith.constant 7 : i32
    %shift_right_arithmetic3A_131 = vector.broadcast %shift_right_arithmetic3A : i32 to vector<1x8xi32>
    %shift_right_arithmetic3A_132 = arith.shrsi %add3A_130, %shift_right_arithmetic3A_131 : vector<1x8xi32>
    %shift_left3A = arith.constant 7 : i32
    %shift_left3A_133 = vector.broadcast %shift_left3A : i32 to vector<1x8xi32>
    %shift_left3A_134 = arith.shli %shift_right_arithmetic3A_132, %shift_left3A_133 : vector<1x8xi32>
    %broadcast_in_dim3A_135 = arith.constant 0 : i32
    %broadcast_in_dim3A_136 = vector.broadcast %broadcast_in_dim3A_135 : i32 to vector<1x1xi32>
    %slice3A_137 = vector.extract_strided_slice %shift_left3A_134 {offsets = [0, 0], sizes = [1, 7], strides = [1, 1]} : vector<1x8xi32> to vector<1x7xi32>
    %concatenate3A_138 = tpu.concatenate %broadcast_in_dim3A_136, %slice3A_137 in 1 : vector<1x1xi32>, vector<1x7xi32> -> vector<1x8xi32>
    %add3A_139 = arith.addi %shift_left3A_134, %concatenate3A_138 : vector<1x8xi32>
    %broadcast_in_dim3A_140 = arith.constant 0 : i32
    %broadcast_in_dim3A_141 = vector.broadcast %broadcast_in_dim3A_140 : i32 to vector<1x2xi32>
    %slice3A_142 = vector.extract_strided_slice %add3A_139 {offsets = [0, 0], sizes = [1, 6], strides = [1, 1]} : vector<1x8xi32> to vector<1x6xi32>
    %concatenate3A_143 = tpu.concatenate %broadcast_in_dim3A_141, %slice3A_142 in 1 : vector<1x2xi32>, vector<1x6xi32> -> vector<1x8xi32>
    %add3A_144 = arith.addi %add3A_139, %concatenate3A_143 : vector<1x8xi32>
    %broadcast_in_dim3A_145 = arith.constant 0 : i32
    %broadcast_in_dim3A_146 = vector.broadcast %broadcast_in_dim3A_145 : i32 to vector<1x4xi32>
    %slice3A_147 = vector.extract_strided_slice %add3A_144 {offsets = [0, 0], sizes = [1, 4], strides = [1, 1]} : vector<1x8xi32> to vector<1x4xi32>
    %concatenate3A_148 = tpu.concatenate %broadcast_in_dim3A_146, %slice3A_147 in 1 : vector<1x4xi32>, vector<1x4xi32> -> vector<1x8xi32>
    %add3A_149 = arith.addi %add3A_144, %concatenate3A_148 : vector<1x8xi32>
    %sub3A_150 = arith.subi %add3A_149, %shift_left3A_134 : vector<1x8xi32>
    %add3A_151 = vector.broadcast %sub3A_150 : vector<1x8xi32> to vector<2048x8xi32>
    %add3A_152 = arith.addi %add3A_151, %convert_element_type3A_126 : vector<2048x8xi32>
    %jit3A_153 = arith.constant 0 : i32
    %broadcast_in_dim3A_154 = vector.broadcast %jit3A_153 : i32 to vector<2048x8xi32>
    %select_n3A_155 = arith.select %eq3A_37, %add3A_152, %broadcast_in_dim3A_154 : vector<2048x8xi1>, vector<2048x8xi32>
    %reduce_sum3A_156 = arith.constant dense<0> : vector<2048xi32>
    %reduce_sum3A_157 = vector.multi_reduction <add>, %select_n3A_155, %reduce_sum3A_156 [1] : vector<2048x8xi32> to vector<2048xi32>
    %broadcast_in_dim3A_158 = vector.shape_cast %reduce_sum3A_157 : vector<2048xi32> to vector<2048x1xi32>
    %swap3A_159 = arith.constant 0 : index
    %swap3A_160 = arith.constant 0 : index
    %swap3A_161 = vector.load %arg2[%swap3A_159, %swap3A_160] : memref<2048x1xi32, #tpu.memory_space<vmem>>, vector<2048x1xi32>
    tpu.vector_store %arg2[%swap3A_159, %swap3A_160], %broadcast_in_dim3A_158 {strides = array<i32>} : memref<2048x1xi32, #tpu.memory_space<vmem>>, vector<2048x1xi32>,
    %broadcast_in_dim3A_162 = arith.constant 0 : i32
    %broadcast_in_dim3A_163 = vector.broadcast %broadcast_in_dim3A_162 : i32 to vector<1x1xi32>
    %slice3A_164 = vector.extract_strided_slice %shift_right_arithmetic3A_132 {offsets = [0, 0], sizes = [1, 7], strides = [1, 1]} : vector<1x8xi32> to vector<1x7xi32>
    %concatenate3A_165 = tpu.concatenate %broadcast_in_dim3A_163, %slice3A_164 in 1 : vector<1x1xi32>, vector<1x7xi32> -> vector<1x8xi32>
    %add3A_166 = arith.addi %shift_right_arithmetic3A_132, %concatenate3A_165 : vector<1x8xi32>
    %broadcast_in_dim3A_167 = arith.constant 0 : i32
    %broadcast_in_dim3A_168 = vector.broadcast %broadcast_in_dim3A_167 : i32 to vector<1x2xi32>
    %slice3A_169 = vector.extract_strided_slice %add3A_166 {offsets = [0, 0], sizes = [1, 6], strides = [1, 1]} : vector<1x8xi32> to vector<1x6xi32>
    %concatenate3A_170 = tpu.concatenate %broadcast_in_dim3A_168, %slice3A_169 in 1 : vector<1x2xi32>, vector<1x6xi32> -> vector<1x8xi32>
    %add3A_171 = arith.addi %add3A_166, %concatenate3A_170 : vector<1x8xi32>
    %broadcast_in_dim3A_172 = arith.constant 0 : i32
    %broadcast_in_dim3A_173 = vector.broadcast %broadcast_in_dim3A_172 : i32 to vector<1x4xi32>
    %slice3A_174 = vector.extract_strided_slice %add3A_171 {offsets = [0, 0], sizes = [1, 4], strides = [1, 1]} : vector<1x8xi32> to vector<1x4xi32>
    %concatenate3A_175 = tpu.concatenate %broadcast_in_dim3A_173, %slice3A_174 in 1 : vector<1x4xi32>, vector<1x4xi32> -> vector<1x8xi32>
    %add3A_176 = arith.addi %add3A_171, %concatenate3A_175 : vector<1x8xi32>
    %slice3A_177 = vector.extract_strided_slice %add3A_176 {offsets = [0, 7], sizes = [1, 1], strides = [1, 1]} : vector<1x8xi32> to vector<1x1xi32>
    %iota3A_178 = tpu.iota {dimensions = array<i32: 0>} : vector<24x8xi32>
    %ge3A = vector.broadcast %add3A_176 : vector<1x8xi32> to vector<24x8xi32>
    %ge3A_179 = arith.cmpi sge, %iota3A_178, %ge3A : vector<24x8xi32>
    %convert_element_type3A_180 = arith.extui %ge3A_179 : vector<24x8xi1> to vector<24x8xi32>
    %reduce_sum3A_181 = arith.constant dense<0> : vector<24xi32>
    %reduce_sum3A_182 = vector.multi_reduction <add>, %convert_element_type3A_180, %reduce_sum3A_181 [1] : vector<24x8xi32> to vector<24xi32>
    %broadcast_in_dim3A_183 = vector.shape_cast %reduce_sum3A_182 : vector<24xi32> to vector<24x1xi32>
    %iota3A_184 = tpu.iota {dimensions = array<i32: 1>} : vector<1x8xi32>
    %gt3A_185 = arith.constant 0 : i32
    %gt3A_186 = vector.broadcast %gt3A_185 : i32 to vector<1x8xi32>
    %gt3A_187 = arith.cmpi sgt, %convert_element_type3A_127, %gt3A_186 : vector<1x8xi32>
    %jit3A_188 = arith.constant 0 : i32
    %broadcast_in_dim3A_189 = vector.broadcast %jit3A_188 : i32 to vector<1x8xi32>
    %select_n3A_190 = arith.select %gt3A_187, %iota3A_184, %broadcast_in_dim3A_189 : vector<1x8xi1>, vector<1x8xi32>
    %reduce_max3A_191 = arith.constant dense<-2147483648> : vector<1xi32>
    %reduce_max3A_192 = vector.multi_reduction <maxsi>, %select_n3A_190, %reduce_max3A_191 [1] : vector<1x8xi32> to vector<1xi32>
    %broadcast_in_dim3A_193 = vector.shape_cast %reduce_max3A_192 : vector<1xi32> to vector<1x1xi32>
    %iota3A_194 = tpu.iota {dimensions = array<i32: 0>} : vector<24x1xi32>
    %lt3A = vector.broadcast %slice3A_177 : vector<1x1xi32> to vector<24x1xi32>
    %lt3A_195 = arith.cmpi slt, %iota3A_194, %lt3A : vector<24x1xi32>
    %min3A = arith.constant 7 : i32
    %min3A_196 = vector.broadcast %min3A : i32 to vector<24x1xi32>
    %min3A_197 = arith.minsi %broadcast_in_dim3A_183, %min3A_196 : vector<24x1xi32>
    %broadcast_in_dim3A_198 = vector.shape_cast %broadcast_in_dim3A_193 : vector<1x1xi32> to vector<1x1xi32>
    %broadcast_in_dim3A_199 = vector.broadcast %broadcast_in_dim3A_198 : vector<1x1xi32> to vector<24x1xi32>
    %select_n3A_200 = arith.select %lt3A_195, %min3A_197, %broadcast_in_dim3A_199 : vector<24x1xi1>, vector<24x1xi32>
    %swap3A_201 = arith.constant 0 : index
    %swap3A_202 = arith.constant 0 : index
    %swap3A_203 = vector.load %arg4[%swap3A_201, %swap3A_202] : memref<24x1xi32, #tpu.memory_space<vmem>>, vector<24x1xi32>
    tpu.vector_store %arg4[%swap3A_201, %swap3A_202], %select_n3A_200 {strides = array<i32>} : memref<24x1xi32, #tpu.memory_space<vmem>>, vector<24x1xi32>,
    %convert_element_type3A_204 = arith.extui %lt3A_195 : vector<24x1xi1> to vector<24x1xi32>
    %swap3A_205 = arith.constant 0 : index
    %swap3A_206 = arith.constant 0 : index
    %swap3A_207 = vector.load %arg5[%swap3A_205, %swap3A_206] : memref<24x1xi32, #tpu.memory_space<vmem>>, vector<24x1xi32>
    tpu.vector_store %arg5[%swap3A_205, %swap3A_206], %convert_element_type3A_204 {strides = array<i32>} : memref<24x1xi32, #tpu.memory_space<vmem>>, vector<24x1xi32>,
    return
  }
  func.func @transform_0(%arg0: i32) -> (i32, i32) {
    %c0_i32 = arith.constant 0 : i32
    %c0_i32_0 = arith.constant 0 : i32
    %c0_i32_1 = arith.constant 0 : i32
    return %c0_i32, %c0_i32_0 : i32, i32
  }
  func.func @transform_1(%arg0: i32) -> (i32, i32) {
    %c0_i32 = arith.constant 0 : i32
    %c0_i32_0 = arith.constant 0 : i32
    %c0_i32_1 = arith.constant 0 : i32
    return %c0_i32, %c0_i32_0 : i32, i32
  }
  func.func @transform_2(%arg0: i32) -> (i32, i32) {
    %c0_i32 = arith.constant 0 : i32
    %c0_i32_0 = arith.constant 0 : i32
    %c0_i32_1 = arith.constant 0 : i32
    return %c0_i32, %c0_i32_0 : i32, i32
  }
  func.func @transform_3(%arg0: i32) -> (i32, i32) {
    %c0_i32 = arith.constant 0 : i32
    %c0_i32_0 = arith.constant 0 : i32
    %c0_i32_1 = arith.constant 0 : i32
    return %c0_i32, %c0_i32_0 : i32, i32
  }
  func.func @transform_4(%arg0: i32) -> (i32, i32) {
    %c0_i32 = arith.constant 0 : i32
    %c0_i32_0 = arith.constant 0 : i32
    %c0_i32_1 = arith.constant 0 : i32
    return %c0_i32, %c0_i32_0 : i32, i32
  }
}

module attributes {stable_mosaic.version = 14 : i64} {
  func.func @_ffn_kernel(%arg0: i32, %arg1: memref<24xi32, #tpu.memory_space<smem>>, %arg2: memref<24xi32, #tpu.memory_space<smem>>, %arg3: memref<128x1024xf32, #tpu.memory_space<vmem>>, %arg4: memref<1x128x1xf32, #tpu.memory_space<vmem>>, %arg5: memref<1x1024x1024xf32, #tpu.memory_space<vmem>>, %arg6: memref<1x1024x512xf32, #tpu.memory_space<vmem>>, %arg7: memref<128x1024xf32, #tpu.memory_space<vmem>>) attributes {dimension_semantics = [#tpu.dimension_semantics<arbitrary>], iteration_bounds = array<i64: 24>, scalar_prefetch = 2 : i64, scratch_operands = 0 : i64, tpu.core_type = #tpu.core_type<tc>, window_params = [{transform_indices = @transform_0, window_bounds = array<i64: 128, 1024>}, {transform_indices = @transform_1, window_bounds = array<i64: 1, 128, 1>}, {transform_indices = @transform_2, window_bounds = array<i64: 1, 1024, 1024>}, {transform_indices = @transform_3, window_bounds = array<i64: 1, 1024, 512>}, {transform_indices = @transform_4, window_bounds = array<i64: 128, 1024>}]} {
    %get3A = arith.index_cast %arg0 : i32 to index
    %get3A_0 = memref.load %arg2[%get3A] : memref<24xi32, #tpu.memory_space<smem>>
    %eq3A = arith.constant 1 : i32
    %eq3A_1 = arith.cmpi eq, %get3A_0, %eq3A : i32
    %convert_element_type3A = arith.extui %eq3A_1 : i1 to i32
    %cond3A = arith.constant 0 : i32
    %cond3A_2 = arith.cmpi ne, %convert_element_type3A, %cond3A : i32
    scf.if %cond3A_2 {
      %get3A_3 = arith.constant 0 : index
      %get3A_4 = arith.constant 0 : index
      %get3A_5 = vector.load %arg3[%get3A_3, %get3A_4] : memref<128x1024xf32, #tpu.memory_space<vmem>>, vector<128x1024xf32>
      %convert_element_type3A_6 = arith.truncf %get3A_5 : vector<128x1024xf32> to vector<128x1024xbf16>
      %get3A_7 = arith.constant 0 : index
      %get3A_8 = arith.constant 0 : index
      %get3A_9 = arith.constant 0 : index
      %get3A_10 = vector.load %arg5[%get3A_7, %get3A_8, %get3A_9] : memref<1x1024x1024xf32, #tpu.memory_space<vmem>>, vector<1x1024x1024xf32>
      %get3A_11 = vector.shape_cast %get3A_10 : vector<1x1024x1024xf32> to vector<1024x1024xf32>
      %dot_general3A = arith.constant dense<0.000000e+00> : vector<128x1024xf32>
      %dot_general3A_12 = tpu.matmul %convert_element_type3A_6, %get3A_11, %dot_general3A {dimension_numbers = #tpu.dot_dimension_numbers<[1], [1], [0], [0], [0, 0, 1, 0], [], []>, transpose_lhs_hint = false} : vector<128x1024xbf16>, vector<1024x1024xf32>, vector<128x1024xf32> -> vector<128x1024xf32>
      %slice3A = vector.extract_strided_slice %dot_general3A_12 {offsets = [0, 0], sizes = [128, 512], strides = [1, 1]} : vector<128x1024xf32> to vector<128x512xf32>
      %slice3A_13 = vector.extract_strided_slice %dot_general3A_12 {offsets = [0, 512], sizes = [128, 512], strides = [1, 1]} : vector<128x1024xf32> to vector<128x512xf32>
      %logistic3A = arith.negf %slice3A : vector<128x512xf32>
      %logistic3A_14 = math.exp %logistic3A : vector<128x512xf32>
      %logistic3A_15 = arith.constant 1.000000e+00 : f32
      %logistic3A_16 = vector.broadcast %logistic3A_15 : f32 to vector<128x512xf32>
      %logistic3A_17 = arith.addf %logistic3A_16, %logistic3A_14 : vector<128x512xf32>
      %logistic3A_18 = arith.divf %logistic3A_16, %logistic3A_17 : vector<128x512xf32>
      %mul3A = arith.mulf %slice3A, %logistic3A_18 : vector<128x512xf32>
      %mul3A_19 = arith.mulf %mul3A, %slice3A_13 : vector<128x512xf32>
      %get3A_20 = arith.constant 0 : index
      %get3A_21 = arith.constant 0 : index
      %get3A_22 = arith.constant 0 : index
      %get3A_23 = vector.load %arg4[%get3A_20, %get3A_21, %get3A_22] : memref<1x128x1xf32, #tpu.memory_space<vmem>>, vector<1x128x1xf32>
      %get3A_24 = vector.shape_cast %get3A_23 : vector<1x128x1xf32> to vector<128x1xf32>
      %mul3A_25 = vector.broadcast %get3A_24 : vector<128x1xf32> to vector<128x512xf32>
      %mul3A_26 = arith.mulf %mul3A_19, %mul3A_25 : vector<128x512xf32>
      %convert_element_type3A_27 = arith.truncf %mul3A_26 : vector<128x512xf32> to vector<128x512xbf16>
      %get3A_28 = arith.constant 0 : index
      %get3A_29 = arith.constant 0 : index
      %get3A_30 = arith.constant 0 : index
      %get3A_31 = vector.load %arg6[%get3A_28, %get3A_29, %get3A_30] : memref<1x1024x512xf32, #tpu.memory_space<vmem>>, vector<1x1024x512xf32>
      %get3A_32 = vector.shape_cast %get3A_31 : vector<1x1024x512xf32> to vector<1024x512xf32>
      %dot_general3A_33 = arith.constant dense<0.000000e+00> : vector<128x1024xf32>
      %dot_general3A_34 = tpu.matmul %convert_element_type3A_27, %get3A_32, %dot_general3A_33 {dimension_numbers = #tpu.dot_dimension_numbers<[1], [1], [0], [0], [0, 0, 1, 0], [], []>, transpose_lhs_hint = false} : vector<128x512xbf16>, vector<1024x512xf32>, vector<128x1024xf32> -> vector<128x1024xf32>
      %swap3A = arith.constant 0 : index
      %swap3A_35 = arith.constant 0 : index
      %swap3A_36 = vector.load %arg7[%swap3A, %swap3A_35] : memref<128x1024xf32, #tpu.memory_space<vmem>>, vector<128x1024xf32>
      tpu.vector_store %arg7[%swap3A, %swap3A_35], %dot_general3A_34 {strides = array<i32>} : memref<128x1024xf32, #tpu.memory_space<vmem>>, vector<128x1024xf32>,
    } else {
    }
    return
  }
  func.func @transform_0(%arg0: i32, %arg1: memref<24xi32, #tpu.memory_space<smem>>, %arg2: memref<24xi32, #tpu.memory_space<smem>>) -> (i32, i32) {
    %c0_i32 = arith.constant 0 : i32
    %c0_i32_0 = arith.constant 0 : i32
    return %arg0, %c0_i32 : i32, i32
  }
  func.func @transform_1(%arg0: i32, %arg1: memref<24xi32, #tpu.memory_space<smem>>, %arg2: memref<24xi32, #tpu.memory_space<smem>>) -> (i32, i32, i32) {
    %c0_i32 = arith.constant 0 : i32
    %c0_i32_0 = arith.constant 0 : i32
    %c0_i32_1 = arith.constant 0 : i32
    return %arg0, %c0_i32, %c0_i32_0 : i32, i32, i32
  }
  func.func @transform_2(%arg0: i32, %arg1: memref<24xi32, #tpu.memory_space<smem>>, %arg2: memref<24xi32, #tpu.memory_space<smem>>) -> (i32, i32, i32) {
    %get3A = arith.index_cast %arg0 : i32 to index
    %get3A_0 = memref.load %arg1[%get3A] : memref<24xi32, #tpu.memory_space<smem>>
    %c0_i32 = arith.constant 0 : i32
    %c0_i32_1 = arith.constant 0 : i32
    %c0_i32_2 = arith.constant 0 : i32
    return %get3A_0, %c0_i32, %c0_i32_1 : i32, i32, i32
  }
  func.func @transform_3(%arg0: i32, %arg1: memref<24xi32, #tpu.memory_space<smem>>, %arg2: memref<24xi32, #tpu.memory_space<smem>>) -> (i32, i32, i32) {
    %get3A = arith.index_cast %arg0 : i32 to index
    %get3A_0 = memref.load %arg1[%get3A] : memref<24xi32, #tpu.memory_space<smem>>
    %c0_i32 = arith.constant 0 : i32
    %c0_i32_1 = arith.constant 0 : i32
    %c0_i32_2 = arith.constant 0 : i32
    return %get3A_0, %c0_i32, %c0_i32_1 : i32, i32, i32
  }
  func.func @transform_4(%arg0: i32, %arg1: memref<24xi32, #tpu.memory_space<smem>>, %arg2: memref<24xi32, #tpu.memory_space<smem>>) -> (i32, i32) {
    %c0_i32 = arith.constant 0 : i32
    %c0_i32_0 = arith.constant 0 : i32
    return %arg0, %c0_i32 : i32, i32
  }
}

</mosaic_0001>

<sc_bundles>
// kernel: kernel.6.cloned.1.call-start
scs
__scs_entry_jumppad:
0x0: {  	(pc) =	sbr.rel $0x88, $3  }
0x1: {  	(tag) =	ssettag $0x0;
	lr =	simm.s32 $0x1  }
0x2: {  	[smem:$0x3F9D] =	sst lr;
	_ =	strace $0xD0000000  }
0x3: {  	_ = 	snop  }
0x4: {  	_ = 	snop  }
0x5: {  	_ = 	snop  }
0x6: {  	_ = 	snop  }
0x7: {  	_ = 	snop  }
__scs_overlays_trampoline_lowered:
0x8: {  	[smem:$0x3FAC] =	sst s0  }
0x9: {  	[smem:$0x3FAD] =	sst s1  }
0xa: {  	[smem:$0x3FAE] =	sst s2  }
0xb: {  	[smem:$0x3FAF] =	sst s3  }
0xc: {  	[smem:$0x3FB0] =	sst s4  }
0xd: {  	[smem:$0x3FB1] =	sst s5  }
0xe: {  	[smem:$0x3FB2] =	sst s6  }
0xf: {  	[smem:$0x3FB3] =	sst s7  }
0x10: {  	[smem:$0x3FB4] =	sst s8  }
0x11: {  	[smem:$0x3FB5] =	sst s9;
	s0 =	simm.s32 @!p0 $0x0  }
0x12: {  	s1 =	sld [smem:$0x3F9B];
	s0 =	simm.s32 @p0 $0x1  }
0x13: {  	[smem:$0x3FB6] =	sst s0;
	s0 =	simm.s32 @!p1 $0x0  }
0x14: {  	s2 =	sld [smem:$0x3F9A];
	s0 =	simm.s32 @p1 $0x1  }
0x15: {  	[smem:$0x3FB7] =	sst s0;
	s0 =	simm.s32 @!p2 $0x0  }
0x16: {  	s3 =	sld [smem:$0x3FDB];
	s0 =	simm.s32 @p2 $0x1  }
0x17: {  	s4 =	simm.s32 $0x1BF5;
	[smem:$0x3FB9] =	sst s0  }
0x18: {  	s0 =	sld [smem:$0x3F9C];
	_ =	swait.ge [sflag:s4], $0x0  }
0x19: {  	s7 =	sld [smem:$0x3F9D]  }
0x1a: {  	s8 =	sadd.s32 $0xFFFFE003, lr  }
0x1b: {  	s9 =	sadd.s32 $0xFFFFFEF7, lr;
	s5 =	simm.s32 $0xFFFFFFFF;
	p2 =	slt.u32 s8, $0xFFFFF086  }
0x1c: {  	p1 =	slt.u32 s9, $0xF7A;
	s5 =	simm.s32 @!p2 $0x0  }
0x1d: {  	s5 =	simm.s32 @p1 $0x1;
	p0 =	seq.s32 s7, s2  }
0x1e: {  	s7 =	smul.u32 @!p0 $0xF7A, s2;
	p2 =	seq.s32 @!p0 s5, $0x0  }
0x1f: {  	s9 =	smul.u32 $0xF7A, s1;
	s8 =	simm.s32 @!p0 $0x1BF5;
	p2 =	por !p2, p0  }
0x20: {  	[sflag:s8] =	ssyncset.s32 @!p0 $0xFFFFF086;
	s6 =	sadd.s32 @!p0 s3, s7;
	s7 =	simm.s32 @!p0 $0x108  }
0x21: {  	s3 =	sadd.s32 s3, s9;
	s6 =	sadd.s32 @!p0 $0x88, s6;
	s7 =	simm.s32 @p2 $0x1082  }
0x22: {  	[simem:s7], [sflag:s8] =	dma.local @!p0 [hbm:s6], $0xF7A  }
0x23: {  	s9 =	sor.u32 $0xD0000000, s2;
	s6 =	simm.s32 $0x108;
	_ =	swait.ge @!p0 [sflag:s8], $0x0  }
0x24: {  	s3 =	sadd.s32 $0x88, s3;
	s6 =	simm.s32 @!p1 $0x1082;
	[sflag:s4] =	ssyncset.s32 $0xFFFFF086  }
0x25: {  	[simem:s6], [sflag:s4] =	dma.local [hbm:s3], $0xF7A  }
0x26: {  	[smem:$0x3F9D] =	sst s1;
	(tag) =	ssettag s2;
	_ =	strace s9  }
0x27: {  	s1 =	sld [smem:$0x3FAD]  }
0x28: {  	s2 =	sld [smem:$0x3FAE]  }
0x29: {  	s4 =	sld [smem:$0x3FB0]  }
0x2a: {  	p0 =	seq.s32 s5, $0x0;
	s5 =	sld [smem:$0x3FB1]  }
0x2b: {  	s6 =	sld [smem:$0x3FB2]  }
0x2c: {  	s7 =	sld [smem:$0x3FB3]  }
0x2d: {  	s3 =	simm.s32 $0x108;
	s8 =	sld [smem:$0x3FB4]  }
0x2e: {  	s3 =	simm.s32 @!p0 $0x1082;
	s9 =	sld [smem:$0x3FB5]  }
0x2f: {  	lr =	sadd.s32 s0, s3;
	s0 =	sld [smem:$0x3FAC]  }
0x30: {  	s3 =	sld [smem:$0x3FAF]  }
0x31: {  	[smem:$0x3FB8] =	sst s10  }
0x32: {  	s10 =	sld [smem:$0x3FB6];
	_ =	sdelay $0x3  }
0x33: {  	p0 =	seq.s32 s10, $0x1;
	s10 =	sld [smem:$0x3FB8];
	_ =	sdelay $0x3  }
0x34: {  	[smem:$0x3FB8] =	sst s10  }
0x35: {  	s10 =	sld [smem:$0x3FB7];
	_ =	sdelay $0x3  }
0x36: {  	p1 =	seq.s32 s10, $0x1;
	s10 =	sld [smem:$0x3FB8];
	_ =	sdelay $0x3  }
0x37: {  	[smem:$0x3FB8] =	sst s10  }
0x38: {  	s10 =	sld [smem:$0x3FB9]  }
0x39: {  	_ = 	snop;
	(pc) =	sbr.ind lr, $3  }
0x3a: {  	_ = 	snop  }
0x3b: {  	_ = 	snop  }
0x3c: {  	p2 =	seq.s32 s10, $0x1;
	s10 =	sld [smem:$0x3FB8]  }
0x3d: {  	_ =	shalt  }
0x3e: {  	_ =	shalt  }
0x3f: {  	_ =	shalt  }
0x40: {  	_ =	shalt  }
0x41: {  	_ =	shalt  }
0x42: {  	_ =	shalt  }
0x43: {  	_ =	shalt  }
0x44: {  	_ =	shalt  }
0x45: {  	_ =	shalt  }
0x46: {  	_ =	shalt  }
0x47: {  	_ =	shalt  }
0x48: {  	_ =	shalt  }
0x49: {  	_ =	shalt  }
0x4a: {  	_ =	shalt  }
0x4b: {  	_ =	shalt  }
0x4c: {  	_ =	shalt  }
0x4d: {  	_ =	shalt  }
0x4e: {  	_ =	shalt  }
0x4f: {  	_ =	shalt  }
0x50: {  	_ =	shalt  }
0x51: {  	_ =	shalt  }
0x52: {  	_ =	shalt  }
0x53: {  	_ =	shalt  }
0x54: {  	_ =	shalt  }
0x55: {  	_ =	shalt  }
0x56: {  	_ =	shalt  }
0x57: {  	_ =	shalt  }
0x58: {  	_ =	shalt  }
0x59: {  	_ =	shalt  }
0x5a: {  	_ =	shalt  }
0x5b: {  	_ =	shalt  }
0x5c: {  	_ =	shalt  }
0x5d: {  	_ =	shalt  }
0x5e: {  	_ =	shalt  }
0x5f: {  	_ =	shalt  }
0x60: {  	_ =	shalt  }
0x61: {  	_ =	shalt  }
0x62: {  	_ =	shalt  }
0x63: {  	_ =	shalt  }
0x64: {  	_ =	shalt  }
0x65: {  	_ =	shalt  }
0x66: {  	_ =	shalt  }
0x67: {  	_ =	shalt  }
0x68: {  	_ =	shalt  }
0x69: {  	_ =	shalt  }
0x6a: {  	_ =	shalt  }
0x6b: {  	_ =	shalt  }
0x6c: {  	_ =	shalt  }
0x6d: {  	_ =	shalt  }
0x6e: {  	_ =	shalt  }
0x6f: {  	_ =	shalt  }
0x70: {  	_ =	shalt  }
0x71: {  	_ =	shalt  }
0x72: {  	_ =	shalt  }
0x73: {  	_ =	shalt  }
0x74: {  	_ =	shalt  }
0x75: {  	_ =	shalt  }
0x76: {  	_ =	shalt  }
0x77: {  	_ =	shalt  }
0x78: {  	_ =	shalt  }
0x79: {  	_ =	shalt  }
0x7a: {  	_ =	shalt  }
0x7b: {  	_ =	shalt  }
0x7c: {  	_ =	shalt  }
0x7d: {  	_ =	shalt  }
0x7e: {  	_ =	shalt  }
0x7f: {  	_ =	shalt  }
0x80: {  	_ =	shalt  }
0x81: {  	_ =	shalt  }
0x82: {  	_ =	shalt  }
0x83: {  	_ =	shalt  }
0x84: {  	_ =	shalt  }
0x85: {  	_ =	shalt  }
0x86: {  	_ =	shalt  }
0x87: {  	_ =	shalt  }
.Lfunc_end0:
.L_simem_size_0:
called_computation_lowered:
.L_overlay_start_0:
0x88: {  	s2 =	sld [smem:$0x3FD9]  }
0x89: {  	s3 =	sld [smem:$0x3FFE];
	_ =	sdelay $0x1  }
0x8a: {  	s1 =	srdreg.scid  }
0x8b: {  	s0 =	sand.u32 $0x1, s1  }
0x8c: {  	s17 =	sshll.u32 s0, $0xA;
	s2 =	sadd.s32 s3, s2  }
0x8d: {  	s2 =	sadd.s32 s2, s17  }
0x8e: {  	[smem:$0x3FC4] =	sst s2  }
0x8f: {  	_ = 	snop  }
0x90: {  	s2 =	sld [smem:$0x3FC9]  }
0x91: {  	s18 =	sld [smem:$0x3FD0];
	(tm) =	ssettm $0x1  }
0x92: {  	s4 =	sld [smem:$0x3FFB];
	_ =	sdelay $0x3  }
0x93: {  	_ =	strace s4  }
0x94: {  	s4 =	sld [smem:$0x3FFC];
	_ =	sdelay $0x3  }
0x95: {  	_ =	strace s4  }
0x96: {  	s4 =	sld [smem:$0x3FFD];
	_ =	sdelay $0x3  }
0x97: {  	_ =	strace s4  }
0x98: {  	_ =	strace $0x8FFFFFFF  }
0x99: {  	s19 =	sld [smem:$0x3FDB];
	_ =	sdelay $0x1  }
0x9a: {  	s5 =	simm.s32 $_scs_section_size  }
0x9b: {  	s6 =	simm.s32 $_size__tile_overlayer_lowered;
	s7 =	simm.s32 $_tile_overlayer_lowered  }
0x9c: {  	s22 =	simm.s32 $0x1BFF;
	s21 =	sshll.u32 s7, $0x1;
	s4 =	sadd.s32 s5, s19  }
0x9d: {  	s8 =	simm.s32 $0x0;
	s20 =	sshll.u32 s6, $0x1;
	s6 =	sadd.s32 s21, s4  }
0x9e: {  	[timem:s8], [sflag:s22] =	dma.local [hbm:s6], s20  }
0x9f: {  	_ =	swait.ge [sflag:s22], s20  }
0xa0: {  	s5 =	ssub.s32 $0x0, s20;
	[sflag:s22] =	ssyncset.done $0x0  }
0xa1: {  	[sflag:s22] =	ssyncadd.s32 s5;
	_ =	sdelay $0x1  }
0xa2: {  	s23 =	simm.s32 $0x1B8B  }
0xa3: {  	_ =	swait.ge [sflag:s23], $0x1  }
0xa4: {  	[sflag:s23] =	ssyncset.done $0x0  }
0xa5: {  	s25 =	simm.s32 $0x1B8E;
	s24 =	sld [smem:$0x3FFE];
	[sflag:s23] =	ssyncadd.s32 $0xFFFFFFFF  }
0xa6: {  	s26 =	simm.s32 $execute0_lowered;
	[smem:$0x3FD2] =	sst s25  }
0xa7: {  	s6 =	sshll.u32 s26, $0x1;
	_ =	strace $0x80000046;
	[dreg:$0x1] =	wrdreg $0xFFFFFFFF  }
0xa8: {  	s28 =	simm.s32 $_size_execute0_lowered;
	s4 =	sadd.s32 s4, s6;
	[dreg:$0x0] =	wrdreg $0x0  }
0xa9: {  	s6 =	sshll.u32 s28, $0x1;
	[dreg:$0x2] =	wrdreg s4  }
0xaa: {  	[dreg:$0x3] =	wrdreg s6  }
0xab: {  	[dreg:$0x4] =	wrdreg $0xC0  }
0xac: {  	_ =	task [dreg:s8], $0x5FFFF  }
0xad: {  	[dreg:$0x1] =	wrdreg $0xFFFFFFFF  }
0xae: {  	[dreg:$0x0] =	wrdreg $0x60  }
0xaf: {  	[dreg:$0x2] =	wrdreg s2  }
0xb0: {  	[dreg:$0x3] =	wrdreg s24  }
0xb1: {  	[dreg:$0x4] =	wrdreg s18  }
0xb2: {  	[dreg:$0x5] =	wrdreg $0x9  }
0xb3: {  	_ =	task.clear_ibuf [dreg:s8], $0x6FFFF;
	_ =	strace $0x90000046  }
0xb4: {  	s29 =	simm.s32 $0x9;
	_ =	strace $0x80000048  }
0xb5: {  	_ =	swait.ge [sflag:s29], $0x1  }
0xb6: {  	[sflag:s29] =	ssyncadd.s32 $0xFFFFFFFF  }
0xb7: {  	_ =	strace $0x90000048  }
0xb8: {  	_ =	sfence  }
0xb9: {  	s30 =	sld [smem:$0x0];
	_ =	sdelay $0x2  }
0xba: {  	s31 =	sshll.u32 s1, $0xD;
	s1 =	sshrl.u32 s1, $0x2  }
0xbb: {  	s3 =	sand.u32 $0x4000, s31;
	s1 =	sadd.s32 s1, s30  }
0xbc: {  	s0 =	sor.u32 s3, s0;
	s1 =	sshll.u32 s1, $0x11  }
0xbd: {  	s0 =	sor.u32 s1, s0  }
0xbe: {  	s0 =	sadd.s32 $0x8F2B, s0  }
0xbf: {  	[sflag:s0] =	ssyncadd.remote.s32 $0x1  }
0xc0: {  	_ =	sfence.sel $0xFFFF  }
0xc1: {  	[dreg:$0x0] =	wrdreg $0xFFFFFFFF;
	(pc) =	sbr.abs _section_cstart, $3  }
0xc2: {  	[dreg:$0x1] =	wrdreg $0xFFFFFFFF  }
0xc3: {  	_ =	task.clear_ibuf [dreg:s8], $0x2FFFF;
	_ =	strace $0x9FFFFFFF  }
0xc4: {  	(tm) =	ssettm $0x7FFFFFFF  }
0xc5: {  	_ =	shalt  }
tec
execute0_lowered:
.L_overlay_start_1:
0x0: {  	(tag) =	ssettag $0x1  }
0x1: {  	s1 =	rddreg [dreg:$0x0]  }
0x2: {  	s7 =	rddreg [dreg:$0x1];
	s0 =	srdreg.scid  }
0x3: {  	s3 =	stileid.u32;
	s2 =	rddreg [dreg:$0x2];
	s4 =	simm.s32 $0x0  }
0x4: {  	s12 =	simm.s32 $0x1;
	s13 =	simm.s32 $0x2;
	s14 =	simm.s32 $0x1000  }
0x5: {  	s15 =	simm.s32 $0x1080;
	s16 =	simm.s32 $0x1100;
	s20 =	simm.s32 $0x14100  }
0x6: {  	s21 =	simm.s32 $0x14900;
	s22 =	simm.s32 $0x15100;
	s23 =	simm.s32 $0x15900  }
0x7: {  	s28 =	simm.s32 $0x17900;
	s29 =	simm.s32 $0x18100;
	s30 =	simm.s32 $0x18900  }
0x8: {  	s31 =	simm.s32 $0x0;
	s0 =	sand.u32 $0x1, s0;
	s3 =	sshll.u32 s3, $0x1  }
0x9: {  	[smem:$0x7FF] =	sst s4;
	s5 =	sadd.s32 $0x200, s7;
	s3 =	sor.u32 s0, s3  }
0xa: {  	s8 =	sadd.s32 $0x300, s1;
	s0 =	ssub.s32 $0x2, s0;
	s6 =	smul.u32 $0x3000, s3  }
0xb: {  	v1 =	vlaneseq.u32;
	v8 =	vimm.f32 $0.0e+00;
	_ =	strace $0x80000047;
	s24 =	sshrl.u32 s0, $0x1;
	s3 =	smul.u32 $0x60, s3  }
0xc: {  	vm0 =	vmmov $0xffff;
	v9 =	vand.u32 $0x7, v1;
	v10 =	vshrl.u32 v1, $0x3;
	s0 =	ssub.s32 s0, s24;
	s24 =	simm.s32 $0x16100;
	s9 =	sadd.s32 s6, s7  }
0xd: {  	v11 =	vor.u32 $0x8, v1;
	v10 =	vmul.u32 $0x8, v10;
	s6 =	sadd.s32 $0x100, s1;
	s25 =	sor.u32 $0x10, s3;
	s26 =	sadd.s32 $0x20, s3;
	v0 =	vmov s3  }
0xe: {  	s17 =	sadd.s32 $0x30, s3;
	s18 =	sadd.s32 $0x40, s3;
	s19 =	sadd.s32 $0x50, s3;
	v2 =	vor.u32 s3, v1;
	v3 =	vor.u32 s25, v1;
	v4 =	vor.u32 s26, v1  }
0xf: {  	s7 =	sadd.s32 $0x200, s1;
	s10 =	sshrl.u32 s3, $0x3;
	s11 =	smax.u32 s0, $0x1;
	v5 =	vor.u32 s17, v1;
	v6 =	vor.u32 s18, v1;
	v7 =	vor.u32 s19, v1  }
0x10: {  	s9 =	sadd.s32 $0x400, s9;
	s10 =	sadd.s32 s2, s10;
	s18 =	simm.s32 $0x13100;
	v2 =	vand.u32 $0x3EF, v2;
	v3 =	vand.u32 $0x3FF, v3;
	v4 =	vand.u32 $0x3EF, v4  }
0x11: {  	s19 =	simm.s32 $0x13900;
	s25 =	simm.s32 $0x16900;
	s26 =	simm.s32 $0x17100;
	v5 =	vand.u32 $0x3FF, v5;
	v6 =	vand.u32 $0x3EF, v6;
	v7 =	vand.u32 $0x3FF, v7  }
.LBB2_1:
0x12: {  	s0 =	rddreg [dreg:$0x1]  }
0x13: {  	[tilespmem:s4], [sflag:$0x1] =	stream.linear.gather [hbm4b:s0+s4], $0x800, $0x38;
	[tilespmem:$0x19100] =	vst v63  }
0x14: {  	s2 =	simm.s32 $0x800  }
0x15: {  	[tilespmem:s2], [sflag:$0x2] =	stream.linear.gather [hbm4b:s5+s4], $0x800, $0x38;
	[tilespmem:$0x19100] =	vst v63  }
0x16: {  	_ =	swait.ge [sflag:s12], $0x800  }
0x17: {  	[sflag:s12] =	ssyncset.done $0x0  }
0x18: {  	[sflag:s12] =	ssyncadd.s32 $0xFFFFF800  }
0x19: {  	_ =	swait.ge [sflag:s13], $0x800  }
0x1a: {  	[sflag:s13] =	ssyncset.done $0x0  }
0x1b: {  	[sflag:s13] =	ssyncadd.s32 $0xFFFFF800  }
0x1c: {  	[tilespmem:$0x1000] =	vst v2  }
0x1d: {  	[tilespmem:$0x1080] =	vst v8  }
0x1e: {  	[tilespmem:$0x1010] =	vst v3  }
0x1f: {  	[tilespmem:$0x1090] =	vst v8  }
0x20: {  	[tilespmem:$0x1020] =	vst v4  }
0x21: {  	[tilespmem:$0x10A0] =	vst v8  }
0x22: {  	[tilespmem:$0x1030] =	vst v5  }
0x23: {  	[tilespmem:$0x10B0] =	vst v8  }
0x24: {  	[tilespmem:$0x1040] =	vst v6  }
0x25: {  	[tilespmem:$0x10C0] =	vst v8  }
0x26: {  	[tilespmem:$0x1050] =	vst v7  }
0x27: {  	[tilespmem:$0x10D0] =	vst v8  }
0x28: {  	v12 =	vld [tilespmem:s4+$0x0];
	_ =	sdelay $0x4  }
0x29: {  	v12 =	vsub.s32 v12, v0  }
0x2a: {  	vm1 =	vgt.s32 v12, $0x0  }
0x2b: {  	vm2 =	vlt.u32 v12, $0x60;
	v12 =	vnsel vm1, $0x0, v12  }
0x2c: {  	v12 =	vmin.u32 v12, $0x5F;
	_ =	sdelay $0x2  }
0x2d: {  	v13 =	vor.u32 s4, v1  }
0x2e: {  	v13 =	vand.u32 $0x3FF, v13  }
0x2f: {  	[tilespmem:v12+s14+$0x0] =	vst.idx.msk vm2, v13  }
0x30: {  	v13 =	vld [tilespmem:s2+$0x0];
	_ =	sdelay $0x4  }
0x31: {  	s0 =	simm.s32 $0x10;
	[tilespmem:v12+s15+$0x0] =	vst.idx.msk vm2, v13  }
0x32: {  	s3 =	simm.s32 $0x20;
	s17 =	simm.s32 $0x10;
	v12 =	vld [tilespmem:s0+$0x0]  }
.LBB2_2:
0x33: {  	p0 =	sne.s32 s3, $0x7F0;
	_ =	sdelay $0x3  }
0x34: {  	v12 =	vsub.s32 v12, v0  }
0x35: {  	vm1 =	vgt.s32 v12, $0x0  }
0x36: {  	vm2 =	vlt.u32 v12, $0x60;
	v12 =	vnsel vm1, $0x0, v12  }
0x37: {  	v12 =	vmin.u32 v12, $0x5F;
	_ =	sdelay $0x2  }
0x38: {  	v13 =	vor.u32 s0, v1;
	s0 =	smov.u32 s3  }
0x39: {  	v13 =	vand.u32 $0x3FF, v13  }
0x3a: {  	s2 =	sadd.s32 $0x10, s2;
	[tilespmem:v12+s14+$0x0] =	vst.idx.msk vm2, v13  }
0x3b: {  	v13 =	vld [tilespmem:s2+$0x0];
	_ =	sdelay $0x1  }
.Ltmp0:
0x3c: {  	(pc) =	sbr.rel @p0 .LBB2_2-.Ltmp0, $3  }
0x3d: {  	_ =	sdelay $0x1  }
0x3e: {  	s17 =	sadd.s32 $0x10, s17;
	[tilespmem:v12+s15+$0x0] =	vst.idx.msk vm2, v13  }
0x3f: {  	s3 =	sadd.s32 $0x10, s3;
	v12 =	vld [tilespmem:s17+$0x0]  }
0x40: {  	_ =	sdelay $0x3  }
0x41: {  	v12 =	vsub.s32 v12, v0  }
0x42: {  	vm1 =	vgt.s32 v12, $0x0  }
0x43: {  	vm2 =	vlt.u32 v12, $0x60;
	v12 =	vnsel vm1, $0x0, v12  }
0x44: {  	v12 =	vmin.u32 v12, $0x5F;
	_ =	sdelay $0x2  }
0x45: {  	v13 =	vor.u32 s0, v1  }
0x46: {  	v13 =	vand.u32 $0x3FF, v13  }
0x47: {  	s2 =	sadd.s32 $0x10, s2;
	[tilespmem:v12+s14+$0x0] =	vst.idx.msk vm2, v13  }
0x48: {  	v13 =	vld [tilespmem:s2+$0x0];
	_ =	sdelay $0x4  }
0x49: {  	[tilespmem:v12+s15+$0x0] =	vst.idx.msk vm2, v13  }
0x4a: {  	v12 =	vld [tilespmem:$0x1000];
	_ =	sdelay $0x4  }
0x4b: {  	v58 =	vshll.u32 v12, $0x3  }
0x4c: {  	v12 =	vand.u32 $0x7, v12;
	v13 =	vand.u32 $0xFFFFFFC0, v58  }
0x4d: {  	v12 =	vor.u32 v12, v13  }
0x4e: {  	v13 =	vperm.xlane v12, v9;
	_ =	sdelay $0x1  }
0x4f: {  	v13 =	vadd.s32 v10, v13;
	_ =	sdelay $0x4  }
0x50: {  	[tilespmem:s16], [sflag:$0x1] =	stream.indirect_vreg.gather [hbm4b:s1+s4], $0x80, v13, vm0, $0xb8;
	[tilespmem:$0x19100] =	vst v63  }
0x51: {  	s3 =	simm.s32 $0x1900;
	v12 =	vperm.xlane v12, v11  }
0x52: {  	[tilespmem:s3], [sflag:$0x1] =	stream.indirect_vreg.gather [hbm4b:s6+s4], $0x80, v13, vm0, $0xb8;
	[tilespmem:$0x19100] =	vst v63  }
0x53: {  	s17 =	simm.s32 $0x2100;
	v12 =	vadd.s32 v10, v12  }
0x54: {  	[tilespmem:s17], [sflag:$0x1] =	stream.indirect_vreg.gather [hbm4b:s7+s4], $0x80, v13, vm0, $0xb8;
	[tilespmem:$0x19100] =	vst v63  }
0x55: {  	s2 =	simm.s32 $0x2900  }
0x56: {  	[tilespmem:s2], [sflag:$0x1] =	stream.indirect_vreg.gather [hbm4b:s8+s4], $0x80, v13, vm0, $0xb8;
	[tilespmem:$0x19100] =	vst v63  }
0x57: {  	s3 =	simm.s32 $0x3100  }
0x58: {  	[tilespmem:s3], [sflag:$0x1] =	stream.indirect_vreg.gather [hbm4b:s1+s4], $0x80, v12, vm0, $0xb8;
	[tilespmem:$0x19100] =	vst v63  }
0x59: {  	s17 =	simm.s32 $0x3900  }
0x5a: {  	[tilespmem:s17], [sflag:$0x1] =	stream.indirect_vreg.gather [hbm4b:s6+s4], $0x80, v12, vm0, $0xb8;
	[tilespmem:$0x19100] =	vst v63  }
0x5b: {  	s2 =	simm.s32 $0x4100  }
0x5c: {  	[tilespmem:s2], [sflag:$0x1] =	stream.indirect_vreg.gather [hbm4b:s7+s4], $0x80, v12, vm0, $0xb8;
	[tilespmem:$0x19100] =	vst v63  }
0x5d: {  	s3 =	simm.s32 $0x4900  }
0x5e: {  	[tilespmem:s3], [sflag:$0x1] =	stream.indirect_vreg.gather [hbm4b:s8+s4], $0x80, v12, vm0, $0xb8;
	[tilespmem:$0x19100] =	vst v63  }
0x5f: {  	v12 =	vld [tilespmem:$0x1010];
	_ =	sdelay $0x4  }
0x60: {  	v59 =	vshll.u32 v12, $0x3  }
0x61: {  	v12 =	vand.u32 $0x7, v12;
	v13 =	vand.u32 $0xFFFFFFC0, v59  }
0x62: {  	v12 =	vor.u32 v12, v13  }
0x63: {  	v13 =	vperm.xlane v12, v9;
	_ =	sdelay $0x1  }
0x64: {  	v13 =	vadd.s32 v10, v13;
	_ =	sdelay $0x3  }
0x65: {  	s17 =	simm.s32 $0x5100  }
0x66: {  	[tilespmem:s17], [sflag:$0x1] =	stream.indirect_vreg.gather [hbm4b:s1+s4], $0x80, v13, vm0, $0xb8;
	[tilespmem:$0x19100] =	vst v63  }
0x67: {  	s2 =	simm.s32 $0x5900;
	v12 =	vperm.xlane v12, v11  }
0x68: {  	[tilespmem:s2], [sflag:$0x1] =	stream.indirect_vreg.gather [hbm4b:s6+s4], $0x80, v13, vm0, $0xb8;
	[tilespmem:$0x19100] =	vst v63  }
0x69: {  	s3 =	simm.s32 $0x6100;
	v12 =	vadd.s32 v10, v12  }
0x6a: {  	[tilespmem:s3], [sflag:$0x1] =	stream.indirect_vreg.gather [hbm4b:s7+s4], $0x80, v13, vm0, $0xb8;
	[tilespmem:$0x19100] =	vst v63  }
0x6b: {  	s17 =	simm.s32 $0x6900  }
0x6c: {  	[tilespmem:s17], [sflag:$0x1] =	stream.indirect_vreg.gather [hbm4b:s8+s4], $0x80, v13, vm0, $0xb8;
	[tilespmem:$0x19100] =	vst v63  }
0x6d: {  	s2 =	simm.s32 $0x7100  }
0x6e: {  	[tilespmem:s2], [sflag:$0x1] =	stream.indirect_vreg.gather [hbm4b:s1+s4], $0x80, v12, vm0, $0xb8;
	[tilespmem:$0x19100] =	vst v63  }
0x6f: {  	s3 =	simm.s32 $0x7900  }
0x70: {  	[tilespmem:s3], [sflag:$0x1] =	stream.indirect_vreg.gather [hbm4b:s6+s4], $0x80, v12, vm0, $0xb8;
	[tilespmem:$0x19100] =	vst v63  }
0x71: {  	s17 =	simm.s32 $0x8100  }
0x72: {  	[tilespmem:s17], [sflag:$0x1] =	stream.indirect_vreg.gather [hbm4b:s7+s4], $0x80, v12, vm0, $0xb8;
	[tilespmem:$0x19100] =	vst v63  }
0x73: {  	s2 =	simm.s32 $0x8900  }
0x74: {  	[tilespmem:s2], [sflag:$0x1] =	stream.indirect_vreg.gather [hbm4b:s8+s4], $0x80, v12, vm0, $0xb8;
	[tilespmem:$0x19100] =	vst v63  }
0x75: {  	v12 =	vld [tilespmem:$0x1020];
	_ =	sdelay $0x4  }
0x76: {  	v60 =	vshll.u32 v12, $0x3  }
0x77: {  	v12 =	vand.u32 $0x7, v12;
	v13 =	vand.u32 $0xFFFFFFC0, v60  }
0x78: {  	v12 =	vor.u32 v12, v13  }
0x79: {  	v13 =	vperm.xlane v12, v9;
	_ =	sdelay $0x1  }
0x7a: {  	v13 =	vadd.s32 v10, v13;
	_ =	sdelay $0x3  }
0x7b: {  	s3 =	simm.s32 $0x9100  }
0x7c: {  	[tilespmem:s3], [sflag:$0x1] =	stream.indirect_vreg.gather [hbm4b:s1+s4], $0x80, v13, vm0, $0xb8;
	[tilespmem:$0x19100] =	vst v63  }
0x7d: {  	s17 =	simm.s32 $0x9900;
	v12 =	vperm.xlane v12, v11  }
0x7e: {  	[tilespmem:s17], [sflag:$0x1] =	stream.indirect_vreg.gather [hbm4b:s6+s4], $0x80, v13, vm0, $0xb8;
	[tilespmem:$0x19100] =	vst v63  }
0x7f: {  	s2 =	simm.s32 $0xA100;
	v12 =	vadd.s32 v10, v12  }
0x80: {  	[tilespmem:s2], [sflag:$0x1] =	stream.indirect_vreg.gather [hbm4b:s7+s4], $0x80, v13, vm0, $0xb8;
	[tilespmem:$0x19100] =	vst v63  }
0x81: {  	s3 =	simm.s32 $0xA900  }
0x82: {  	[tilespmem:s3], [sflag:$0x1] =	stream.indirect_vreg.gather [hbm4b:s8+s4], $0x80, v13, vm0, $0xb8;
	[tilespmem:$0x19100] =	vst v63  }
0x83: {  	s17 =	simm.s32 $0xB100  }
0x84: {  	[tilespmem:s17], [sflag:$0x1] =	stream.indirect_vreg.gather [hbm4b:s1+s4], $0x80, v12, vm0, $0xb8;
	[tilespmem:$0x19100] =	vst v63  }
0x85: {  	s2 =	simm.s32 $0xB900  }
0x86: {  	[tilespmem:s2], [sflag:$0x1] =	stream.indirect_vreg.gather [hbm4b:s6+s4], $0x80, v12, vm0, $0xb8;
	[tilespmem:$0x19100] =	vst v63  }
0x87: {  	s3 =	simm.s32 $0xC100  }
0x88: {  	[tilespmem:s3], [sflag:$0x1] =	stream.indirect_vreg.gather [hbm4b:s7+s4], $0x80, v12, vm0, $0xb8;
	[tilespmem:$0x19100] =	vst v63  }
0x89: {  	s17 =	simm.s32 $0xC900  }
0x8a: {  	[tilespmem:s17], [sflag:$0x1] =	stream.indirect_vreg.gather [hbm4b:s8+s4], $0x80, v12, vm0, $0xb8;
	[tilespmem:$0x19100] =	vst v63  }
0x8b: {  	v12 =	vld [tilespmem:$0x1030];
	_ =	sdelay $0x4  }
0x8c: {  	v61 =	vshll.u32 v12, $0x3  }
0x8d: {  	v12 =	vand.u32 $0x7, v12;
	v13 =	vand.u32 $0xFFFFFFC0, v61  }
0x8e: {  	v12 =	vor.u32 v12, v13  }
0x8f: {  	v13 =	vperm.xlane v12, v9;
	_ =	sdelay $0x1  }
0x90: {  	v13 =	vadd.s32 v10, v13;
	_ =	sdelay $0x3  }
0x91: {  	s2 =	simm.s32 $0xD100  }
0x92: {  	[tilespmem:s2], [sflag:$0x1] =	stream.indirect_vreg.gather [hbm4b:s1+s4], $0x80, v13, vm0, $0xb8;
	[tilespmem:$0x19100] =	vst v63  }
0x93: {  	s3 =	simm.s32 $0xD900;
	v12 =	vperm.xlane v12, v11  }
0x94: {  	[tilespmem:s3], [sflag:$0x1] =	stream.indirect_vreg.gather [hbm4b:s6+s4], $0x80, v13, vm0, $0xb8;
	[tilespmem:$0x19100] =	vst v63  }
0x95: {  	s17 =	simm.s32 $0xE100;
	v12 =	vadd.s32 v10, v12  }
0x96: {  	[tilespmem:s17], [sflag:$0x1] =	stream.indirect_vreg.gather [hbm4b:s7+s4], $0x80, v13, vm0, $0xb8;
	[tilespmem:$0x19100] =	vst v63  }
0x97: {  	s2 =	simm.s32 $0xE900  }
0x98: {  	[tilespmem:s2], [sflag:$0x1] =	stream.indirect_vreg.gather [hbm4b:s8+s4], $0x80, v13, vm0, $0xb8;
	[tilespmem:$0x19100] =	vst v63  }
0x99: {  	s3 =	simm.s32 $0xF100  }
0x9a: {  	[tilespmem:s3], [sflag:$0x1] =	stream.indirect_vreg.gather [hbm4b:s1+s4], $0x80, v12, vm0, $0xb8;
	[tilespmem:$0x19100] =	vst v63  }
0x9b: {  	s17 =	simm.s32 $0xF900  }
0x9c: {  	[tilespmem:s17], [sflag:$0x1] =	stream.indirect_vreg.gather [hbm4b:s6+s4], $0x80, v12, vm0, $0xb8;
	[tilespmem:$0x19100] =	vst v63  }
0x9d: {  	s2 =	simm.s32 $0x10100  }
0x9e: {  	[tilespmem:s2], [sflag:$0x1] =	stream.indirect_vreg.gather [hbm4b:s7+s4], $0x80, v12, vm0, $0xb8;
	[tilespmem:$0x19100] =	vst v63  }
0x9f: {  	s3 =	simm.s32 $0x10900  }
0xa0: {  	[tilespmem:s3], [sflag:$0x1] =	stream.indirect_vreg.gather [hbm4b:s8+s4], $0x80, v12, vm0, $0xb8;
	[tilespmem:$0x19100] =	vst v63  }
0xa1: {  	v12 =	vld [tilespmem:$0x1040];
	_ =	sdelay $0x4  }
0xa2: {  	v62 =	vshll.u32 v12, $0x3  }
0xa3: {  	v12 =	vand.u32 $0x7, v12;
	v13 =	vand.u32 $0xFFFFFFC0, v62  }
0xa4: {  	v12 =	vor.u32 v12, v13  }
0xa5: {  	v13 =	vperm.xlane v12, v9;
	_ =	sdelay $0x1  }
0xa6: {  	v13 =	vadd.s32 v10, v13;
	_ =	sdelay $0x3  }
0xa7: {  	s17 =	simm.s32 $0x11100  }
0xa8: {  	[tilespmem:s17], [sflag:$0x1] =	stream.indirect_vreg.gather [hbm4b:s1+s4], $0x80, v13, vm0, $0xb8;
	[tilespmem:$0x19100] =	vst v63  }
0xa9: {  	s2 =	simm.s32 $0x11900;
	v12 =	vperm.xlane v12, v11  }
0xaa: {  	[tilespmem:s2], [sflag:$0x1] =	stream.indirect_vreg.gather [hbm4b:s6+s4], $0x80, v13, vm0, $0xb8;
	[tilespmem:$0x19100] =	vst v63  }
0xab: {  	s3 =	simm.s32 $0x12100;
	v12 =	vadd.s32 v10, v12  }
0xac: {  	[tilespmem:s3], [sflag:$0x1] =	stream.indirect_vreg.gather [hbm4b:s7+s4], $0x80, v13, vm0, $0xb8;
	[tilespmem:$0x19100] =	vst v63  }
0xad: {  	s17 =	simm.s32 $0x12900  }
0xae: {  	[tilespmem:s17], [sflag:$0x1] =	stream.indirect_vreg.gather [hbm4b:s8+s4], $0x80, v13, vm0, $0xb8;
	[tilespmem:$0x19100] =	vst v63  }
0xaf: {  	_ = 	snop  }
0xb0: {  	[tilespmem:s18], [sflag:$0x1] =	stream.indirect_vreg.gather [hbm4b:s1+s4], $0x80, v12, vm0, $0xb8;
	[tilespmem:$0x19100] =	vst v63  }
0xb1: {  	_ = 	snop  }
0xb2: {  	[tilespmem:s19], [sflag:$0x1] =	stream.indirect_vreg.gather [hbm4b:s6+s4], $0x80, v12, vm0, $0xb8;
	[tilespmem:$0x19100] =	vst v63  }
0xb3: {  	_ = 	snop  }
0xb4: {  	[tilespmem:s20], [sflag:$0x1] =	stream.indirect_vreg.gather [hbm4b:s7+s4], $0x80, v12, vm0, $0xb8;
	[tilespmem:$0x19100] =	vst v63  }
0xb5: {  	_ = 	snop  }
0xb6: {  	[tilespmem:s21], [sflag:$0x1] =	stream.indirect_vreg.gather [hbm4b:s8+s4], $0x80, v12, vm0, $0xb8;
	[tilespmem:$0x19100] =	vst v63  }
0xb7: {  	v12 =	vld [tilespmem:$0x1050];
	_ =	sdelay $0x4  }
0xb8: {  	v63 =	vshll.u32 v12, $0x3  }
0xb9: {  	v12 =	vand.u32 $0x7, v12;
	v13 =	vand.u32 $0xFFFFFFC0, v63  }
0xba: {  	v12 =	vor.u32 v12, v13  }
0xbb: {  	v13 =	vperm.xlane v12, v9;
	_ =	sdelay $0x1  }
0xbc: {  	v13 =	vadd.s32 v10, v13;
	_ =	sdelay $0x4  }
0xbd: {  	[tilespmem:s22], [sflag:$0x1] =	stream.indirect_vreg.gather [hbm4b:s1+s4], $0x80, v13, vm0, $0xb8;
	[tilespmem:$0x19100] =	vst v63  }
0xbe: {  	v12 =	vperm.xlane v12, v11  }
0xbf: {  	[tilespmem:s23], [sflag:$0x1] =	stream.indirect_vreg.gather [hbm4b:s6+s4], $0x80, v13, vm0, $0xb8;
	[tilespmem:$0x19100] =	vst v63  }
0xc0: {  	v12 =	vadd.s32 v10, v12  }
0xc1: {  	[tilespmem:s24], [sflag:$0x1] =	stream.indirect_vreg.gather [hbm4b:s7+s4], $0x80, v13, vm0, $0xb8;
	[tilespmem:$0x19100] =	vst v63  }
0xc2: {  	_ = 	snop  }
0xc3: {  	[tilespmem:s25], [sflag:$0x1] =	stream.indirect_vreg.gather [hbm4b:s8+s4], $0x80, v13, vm0, $0xb8;
	[tilespmem:$0x19100] =	vst v63  }
0xc4: {  	_ = 	snop  }
0xc5: {  	[tilespmem:s26], [sflag:$0x1] =	stream.indirect_vreg.gather [hbm4b:s1+s4], $0x80, v12, vm0, $0xb8;
	[tilespmem:$0x19100] =	vst v63  }
0xc6: {  	_ = 	snop  }
0xc7: {  	[tilespmem:s28], [sflag:$0x1] =	stream.indirect_vreg.gather [hbm4b:s6+s4], $0x80, v12, vm0, $0xb8;
	[tilespmem:$0x19100] =	vst v63  }
0xc8: {  	_ = 	snop  }
0xc9: {  	[tilespmem:s29], [sflag:$0x1] =	stream.indirect_vreg.gather [hbm4b:s7+s4], $0x80, v12, vm0, $0xb8;
	[tilespmem:$0x19100] =	vst v63  }
0xca: {  	_ = 	snop  }
0xcb: {  	[tilespmem:s30], [sflag:$0x1] =	stream.indirect_vreg.gather [hbm4b:s8+s4], $0x80, v12, vm0, $0xb8;
	[tilespmem:$0x19100] =	vst v63  }
0xcc: {  	_ =	swait.ge [sflag:s12], $0x18000  }
0xcd: {  	[sflag:s12] =	ssyncset.done $0x0  }
0xce: {  	[sflag:s12] =	ssyncadd.s32 $0xFFFE8000  }
0xcf: {  	[hbm4b:s9+s4] =	stream.linear.scatter [tilespmem:s16], [sflag:$0x1], $0x18000, $0x38;
	[tilespmem:$0x19100] =	vst v63  }
0xd0: {  	s31 =	sadd.s32 $0x1, s31  }
0xd1: {  	[hbm4b:s10+s4] =	stream.linear.scatter [tilespmem:s15], [sflag:$0x2], $0x60, $0x38;
	[tilespmem:$0x19100] =	vst v63  }
0xd2: {  	p0 =	sne.s32 s31, s11;
	_ =	swait.ge [sflag:s12], $0x18000  }
.Ltmp1:
0xd3: {  	[sflag:s12] =	ssyncset.done $0x0;
	(pc) =	sbr.rel @p0 .LBB2_1-.Ltmp1, $4  }
0xd4: {  	[sflag:s12] =	ssyncadd.s32 $0xFFFE8000  }
0xd5: {  	_ =	swait.ge [sflag:s13], $0x60  }
0xd6: {  	[sflag:s13] =	ssyncset.done $0x0  }
0xd7: {  	[sflag:s13] =	ssyncadd.s32 $0xFFFFFFA0  }
0xd8: {  	_ =	sfence.sel $0x180000  }
0xd9: {  	[bflag:$0x0] =	sbarrier.arrive $0xFFFF  }
0xda: {  	_ =	strace $0x90000047  }
0xdb: {  	s0 =	stileid.u32;
	[bflag:$0x2] =	sbarrier.arrive $0xFFFF  }
0xdc: {  	p0 =	sne.s32 s0, $0x0;
	s0 =	rddreg [dreg:$0x3]  }
0xdd: {  	s0 =	sadd.s32 @!p0 $0x100000, s0  }
0xde: {  	[sflag:s0] =	ssyncadd.tile.s32 @!p0 $0x1;
	_ =	shalt  }
.Lfunc_end2:
_tile_overlayer_lowered:
.L_overlay_start_2:
0xdf: {  	(tag) =	ssettag $0x2  }
0xe0: {  	s0 =	rddreg [dreg:$0x0];
	s2 =	stileid.u32  }
0xe1: {  	s1 =	rddreg [dreg:$0x1];
	p0 =	sne.s32 s2, $0x0  }
0xe2: {  	s3 =	rddreg [dreg:$0x2];
	[bflag:$0x3] =	sbarrier.arrive $0xFFFF;
	s2 =	simm.s32 @!p0 $0x1C03  }
0xe3: {  	[timem:s3], [sflag:s2] =	dma.local @!p0 [hbm:s0], s1  }
0xe4: {  	s0 =	simm.s32 @!p0 $0x3  }
0xe5: {  	_ =	swait.ge @!p0 [sflag:s0], s1  }
0xe6: {  	s1 =	ssub.s32 @!p0 $0x0, s1;
	[sflag:s0] =	ssyncset.done @!p0 $0x0  }
0xe7: {  	[sflag:s0] =	ssyncadd.s32 @!p0 s1  }
0xe8: {  	[bflag:$0x3] =	sbarrier.arrive $0xFFFF  }
0xe9: {  	_ =	shalt  }

// kernel: kernel.9.cloned.1.call-start
scs
__scs_entry_jumppad:
0x0: {  	(pc) =	sbr.rel $0x88, $3  }
0x1: {  	(tag) =	ssettag $0x0;
	lr =	simm.s32 $0x1  }
0x2: {  	[smem:$0x3F9D] =	sst lr;
	_ =	strace $0xD0000000  }
0x3: {  	_ = 	snop  }
0x4: {  	_ = 	snop  }
0x5: {  	_ = 	snop  }
0x6: {  	_ = 	snop  }
0x7: {  	_ = 	snop  }
__scs_overlays_trampoline_lowered:
0x8: {  	[smem:$0x3FAC] =	sst s0  }
0x9: {  	[smem:$0x3FAD] =	sst s1  }
0xa: {  	[smem:$0x3FAE] =	sst s2  }
0xb: {  	[smem:$0x3FAF] =	sst s3  }
0xc: {  	[smem:$0x3FB0] =	sst s4  }
0xd: {  	[smem:$0x3FB1] =	sst s5  }
0xe: {  	[smem:$0x3FB2] =	sst s6  }
0xf: {  	[smem:$0x3FB3] =	sst s7  }
0x10: {  	[smem:$0x3FB4] =	sst s8  }
0x11: {  	[smem:$0x3FB5] =	sst s9;
	s0 =	simm.s32 @!p0 $0x0  }
0x12: {  	s1 =	sld [smem:$0x3F9B];
	s0 =	simm.s32 @p0 $0x1  }
0x13: {  	[smem:$0x3FB6] =	sst s0;
	s0 =	simm.s32 @!p1 $0x0  }
0x14: {  	s2 =	sld [smem:$0x3F9A];
	s0 =	simm.s32 @p1 $0x1  }
0x15: {  	[smem:$0x3FB7] =	sst s0;
	s0 =	simm.s32 @!p2 $0x0  }
0x16: {  	s3 =	sld [smem:$0x3FDB];
	s0 =	simm.s32 @p2 $0x1  }
0x17: {  	s4 =	simm.s32 $0x1BF5;
	[smem:$0x3FB9] =	sst s0  }
0x18: {  	s0 =	sld [smem:$0x3F9C];
	_ =	swait.ge [sflag:s4], $0x0  }
0x19: {  	s7 =	sld [smem:$0x3F9D]  }
0x1a: {  	s8 =	sadd.s32 $0xFFFFE003, lr  }
0x1b: {  	s9 =	sadd.s32 $0xFFFFFEF7, lr;
	s5 =	simm.s32 $0xFFFFFFFF;
	p2 =	slt.u32 s8, $0xFFFFF086  }
0x1c: {  	p1 =	slt.u32 s9, $0xF7A;
	s5 =	simm.s32 @!p2 $0x0  }
0x1d: {  	s5 =	simm.s32 @p1 $0x1;
	p0 =	seq.s32 s7, s2  }
0x1e: {  	s7 =	smul.u32 @!p0 $0xF7A, s2;
	p2 =	seq.s32 @!p0 s5, $0x0  }
0x1f: {  	s9 =	smul.u32 $0xF7A, s1;
	s8 =	simm.s32 @!p0 $0x1BF5;
	p2 =	por !p2, p0  }
0x20: {  	[sflag:s8] =	ssyncset.s32 @!p0 $0xFFFFF086;
	s6 =	sadd.s32 @!p0 s3, s7;
	s7 =	simm.s32 @!p0 $0x108  }
0x21: {  	s3 =	sadd.s32 s3, s9;
	s6 =	sadd.s32 @!p0 $0x88, s6;
	s7 =	simm.s32 @p2 $0x1082  }
0x22: {  	[simem:s7], [sflag:s8] =	dma.local @!p0 [hbm:s6], $0xF7A  }
0x23: {  	s9 =	sor.u32 $0xD0000000, s2;
	s6 =	simm.s32 $0x108;
	_ =	swait.ge @!p0 [sflag:s8], $0x0  }
0x24: {  	s3 =	sadd.s32 $0x88, s3;
	s6 =	simm.s32 @!p1 $0x1082;
	[sflag:s4] =	ssyncset.s32 $0xFFFFF086  }
0x25: {  	[simem:s6], [sflag:s4] =	dma.local [hbm:s3], $0xF7A  }
0x26: {  	[smem:$0x3F9D] =	sst s1;
	(tag) =	ssettag s2;
	_ =	strace s9  }
0x27: {  	s1 =	sld [smem:$0x3FAD]  }
0x28: {  	s2 =	sld [smem:$0x3FAE]  }
0x29: {  	s4 =	sld [smem:$0x3FB0]  }
0x2a: {  	p0 =	seq.s32 s5, $0x0;
	s5 =	sld [smem:$0x3FB1]  }
0x2b: {  	s6 =	sld [smem:$0x3FB2]  }
0x2c: {  	s7 =	sld [smem:$0x3FB3]  }
0x2d: {  	s3 =	simm.s32 $0x108;
	s8 =	sld [smem:$0x3FB4]  }
0x2e: {  	s3 =	simm.s32 @!p0 $0x1082;
	s9 =	sld [smem:$0x3FB5]  }
0x2f: {  	lr =	sadd.s32 s0, s3;
	s0 =	sld [smem:$0x3FAC]  }
0x30: {  	s3 =	sld [smem:$0x3FAF]  }
0x31: {  	[smem:$0x3FB8] =	sst s10  }
0x32: {  	s10 =	sld [smem:$0x3FB6];
	_ =	sdelay $0x3  }
0x33: {  	p0 =	seq.s32 s10, $0x1;
	s10 =	sld [smem:$0x3FB8];
	_ =	sdelay $0x3  }
0x34: {  	[smem:$0x3FB8] =	sst s10  }
0x35: {  	s10 =	sld [smem:$0x3FB7];
	_ =	sdelay $0x3  }
0x36: {  	p1 =	seq.s32 s10, $0x1;
	s10 =	sld [smem:$0x3FB8];
	_ =	sdelay $0x3  }
0x37: {  	[smem:$0x3FB8] =	sst s10  }
0x38: {  	s10 =	sld [smem:$0x3FB9]  }
0x39: {  	_ = 	snop;
	(pc) =	sbr.ind lr, $3  }
0x3a: {  	_ = 	snop  }
0x3b: {  	_ = 	snop  }
0x3c: {  	p2 =	seq.s32 s10, $0x1;
	s10 =	sld [smem:$0x3FB8]  }
0x3d: {  	_ =	shalt  }
0x3e: {  	_ =	shalt  }
0x3f: {  	_ =	shalt  }
0x40: {  	_ =	shalt  }
0x41: {  	_ =	shalt  }
0x42: {  	_ =	shalt  }
0x43: {  	_ =	shalt  }
0x44: {  	_ =	shalt  }
0x45: {  	_ =	shalt  }
0x46: {  	_ =	shalt  }
0x47: {  	_ =	shalt  }
0x48: {  	_ =	shalt  }
0x49: {  	_ =	shalt  }
0x4a: {  	_ =	shalt  }
0x4b: {  	_ =	shalt  }
0x4c: {  	_ =	shalt  }
0x4d: {  	_ =	shalt  }
0x4e: {  	_ =	shalt  }
0x4f: {  	_ =	shalt  }
0x50: {  	_ =	shalt  }
0x51: {  	_ =	shalt  }
0x52: {  	_ =	shalt  }
0x53: {  	_ =	shalt  }
0x54: {  	_ =	shalt  }
0x55: {  	_ =	shalt  }
0x56: {  	_ =	shalt  }
0x57: {  	_ =	shalt  }
0x58: {  	_ =	shalt  }
0x59: {  	_ =	shalt  }
0x5a: {  	_ =	shalt  }
0x5b: {  	_ =	shalt  }
0x5c: {  	_ =	shalt  }
0x5d: {  	_ =	shalt  }
0x5e: {  	_ =	shalt  }
0x5f: {  	_ =	shalt  }
0x60: {  	_ =	shalt  }
0x61: {  	_ =	shalt  }
0x62: {  	_ =	shalt  }
0x63: {  	_ =	shalt  }
0x64: {  	_ =	shalt  }
0x65: {  	_ =	shalt  }
0x66: {  	_ =	shalt  }
0x67: {  	_ =	shalt  }
0x68: {  	_ =	shalt  }
0x69: {  	_ =	shalt  }
0x6a: {  	_ =	shalt  }
0x6b: {  	_ =	shalt  }
0x6c: {  	_ =	shalt  }
0x6d: {  	_ =	shalt  }
0x6e: {  	_ =	shalt  }
0x6f: {  	_ =	shalt  }
0x70: {  	_ =	shalt  }
0x71: {  	_ =	shalt  }
0x72: {  	_ =	shalt  }
0x73: {  	_ =	shalt  }
0x74: {  	_ =	shalt  }
0x75: {  	_ =	shalt  }
0x76: {  	_ =	shalt  }
0x77: {  	_ =	shalt  }
0x78: {  	_ =	shalt  }
0x79: {  	_ =	shalt  }
0x7a: {  	_ =	shalt  }
0x7b: {  	_ =	shalt  }
0x7c: {  	_ =	shalt  }
0x7d: {  	_ =	shalt  }
0x7e: {  	_ =	shalt  }
0x7f: {  	_ =	shalt  }
0x80: {  	_ =	shalt  }
0x81: {  	_ =	shalt  }
0x82: {  	_ =	shalt  }
0x83: {  	_ =	shalt  }
0x84: {  	_ =	shalt  }
0x85: {  	_ =	shalt  }
0x86: {  	_ =	shalt  }
0x87: {  	_ =	shalt  }
.Lfunc_end0:
.L_simem_size_0:
called_computation.1_lowered:
.L_overlay_start_0:
0x88: {  	s2 =	sld [smem:$0x3FD9]  }
0x89: {  	s3 =	sld [smem:$0x3FFE];
	_ =	sdelay $0x1  }
0x8a: {  	s1 =	srdreg.scid  }
0x8b: {  	s0 =	sand.u32 $0x1, s1  }
0x8c: {  	s17 =	sshll.u32 s0, $0xA;
	s2 =	sadd.s32 s3, s2  }
0x8d: {  	s2 =	sadd.s32 s2, s17  }
0x8e: {  	[smem:$0x3FC4] =	sst s2  }
0x8f: {  	_ = 	snop  }
0x90: {  	s2 =	sld [smem:$0x3FD0];
	(tm) =	ssettm $0x1  }
0x91: {  	s18 =	sld [smem:$0x3FFB];
	_ =	sdelay $0x3  }
0x92: {  	_ =	strace s18  }
0x93: {  	s3 =	sld [smem:$0x3FFC];
	_ =	sdelay $0x3  }
0x94: {  	_ =	strace s3  }
0x95: {  	s3 =	sld [smem:$0x3FFD];
	_ =	sdelay $0x3  }
0x96: {  	_ =	strace s3  }
0x97: {  	_ =	strace $0x8FFFFFFF  }
0x98: {  	s19 =	sld [smem:$0x3FDB];
	_ =	sdelay $0x1  }
0x99: {  	s4 =	simm.s32 $_scs_section_size  }
0x9a: {  	s5 =	simm.s32 $_size__tile_overlayer_lowered;
	s6 =	simm.s32 $_tile_overlayer_lowered  }
0x9b: {  	s22 =	simm.s32 $0x1BFF;
	s21 =	sshll.u32 s6, $0x1;
	s3 =	sadd.s32 s4, s19  }
0x9c: {  	s7 =	simm.s32 $0x0;
	s20 =	sshll.u32 s5, $0x1;
	s5 =	sadd.s32 s21, s3  }
0x9d: {  	[timem:s7], [sflag:s22] =	dma.local [hbm:s5], s20  }
0x9e: {  	_ =	swait.ge [sflag:s22], s20  }
0x9f: {  	s4 =	ssub.s32 $0x0, s20;
	[sflag:s22] =	ssyncset.done $0x0  }
0xa0: {  	[sflag:s22] =	ssyncadd.s32 s4;
	_ =	sdelay $0x1  }
0xa1: {  	s23 =	simm.s32 $0x1B8B  }
0xa2: {  	_ =	swait.ge [sflag:s23], $0x1  }
0xa3: {  	[sflag:s23] =	ssyncset.done $0x0  }
0xa4: {  	s25 =	simm.s32 $0x1B8E;
	s24 =	sld [smem:$0x3FFE];
	[sflag:s23] =	ssyncadd.s32 $0xFFFFFFFF  }
0xa5: {  	s26 =	simm.s32 $execute0_lowered;
	[smem:$0x3FD2] =	sst s25  }
0xa6: {  	s5 =	sshll.u32 s26, $0x1;
	_ =	strace $0x80000049;
	[dreg:$0x1] =	wrdreg $0xFFFFFFFF  }
0xa7: {  	s28 =	simm.s32 $_size_execute0_lowered;
	s3 =	sadd.s32 s3, s5;
	[dreg:$0x0] =	wrdreg $0x0  }
0xa8: {  	s5 =	sshll.u32 s28, $0x1;
	[dreg:$0x2] =	wrdreg s3  }
0xa9: {  	[dreg:$0x3] =	wrdreg s5  }
0xaa: {  	[dreg:$0x4] =	wrdreg $0xC0  }
0xab: {  	_ =	task [dreg:s7], $0x5FFFF  }
0xac: {  	[dreg:$0x1] =	wrdreg $0xFFFFFFFF  }
0xad: {  	[dreg:$0x0] =	wrdreg $0x60  }
0xae: {  	[dreg:$0x2] =	wrdreg s24  }
0xaf: {  	[dreg:$0x3] =	wrdreg s2  }
0xb0: {  	[dreg:$0x4] =	wrdreg $0x9  }
0xb1: {  	_ =	task.clear_ibuf [dreg:s7], $0x5FFFF;
	_ =	strace $0x90000049  }
0xb2: {  	s29 =	simm.s32 $0x9;
	_ =	strace $0x8000004B  }
0xb3: {  	_ =	swait.ge [sflag:s29], $0x1  }
0xb4: {  	[sflag:s29] =	ssyncadd.s32 $0xFFFFFFFF  }
0xb5: {  	_ =	strace $0x9000004B  }
0xb6: {  	_ =	sfence  }
0xb7: {  	s30 =	sld [smem:$0x0];
	_ =	sdelay $0x2  }
0xb8: {  	s31 =	sshll.u32 s1, $0xD;
	s1 =	sshrl.u32 s1, $0x2  }
0xb9: {  	s3 =	sand.u32 $0x4000, s31;
	s1 =	sadd.s32 s1, s30  }
0xba: {  	s0 =	sor.u32 s3, s0;
	s1 =	sshll.u32 s1, $0x11  }
0xbb: {  	s0 =	sor.u32 s1, s0  }
0xbc: {  	s0 =	sadd.s32 $0x8F2B, s0  }
0xbd: {  	[sflag:s0] =	ssyncadd.remote.s32 $0x1  }
0xbe: {  	_ =	sfence.sel $0xFFFF  }
0xbf: {  	[dreg:$0x0] =	wrdreg $0xFFFFFFFF;
	(pc) =	sbr.abs _section_cstart, $3  }
0xc0: {  	[dreg:$0x1] =	wrdreg $0xFFFFFFFF  }
0xc1: {  	_ =	task.clear_ibuf [dreg:s7], $0x2FFFF;
	_ =	strace $0x9FFFFFFF  }
0xc2: {  	(tm) =	ssettm $0x7FFFFFFF  }
0xc3: {  	_ =	shalt  }
tec
execute0_lowered:
.L_overlay_start_1:
0x0: {  	(tag) =	ssettag $0x1  }
0x1: {  	s0 =	srdreg.scid  }
0x2: {  	s2 =	rddreg [dreg:$0x0];
	s3 =	stileid.u32  }
0x3: {  	s1 =	rddreg [dreg:$0x1];
	s12 =	simm.s32 $0x1;
	s13 =	simm.s32 $0x2  }
0x4: {  	s14 =	simm.s32 $0x100;
	s16 =	simm.s32 $0xA900;
	s17 =	simm.s32 $0xB100  }
0x5: {  	s18 =	simm.s32 $0xB900;
	s19 =	simm.s32 $0xC100;
	s20 =	simm.s32 $0xC900  }
0x6: {  	s21 =	simm.s32 $0xD100;
	s22 =	simm.s32 $0xD900;
	s23 =	simm.s32 $0xE100  }
0x7: {  	s24 =	simm.s32 $0xE900;
	s25 =	simm.s32 $0xF100;
	s26 =	simm.s32 $0xF900  }
0x8: {  	s28 =	simm.s32 $0x0;
	s0 =	sand.u32 $0x1, s0;
	s4 =	sshll.u32 s3, $0x6  }
0x9: {  	s3 =	simm.s32 $0x0;
	s6 =	sadd.s32 $0x100, s2;
	s7 =	sadd.s32 $0x200, s2  }
0xa: {  	s5 =	sshll.u32 s0, $0x5;
	[smem:$0x7FF] =	sst s3;
	s0 =	ssub.s32 $0x2, s0  }
0xb: {  	s8 =	sor.u32 s5, s4;
	_ =	strace $0x8000004A;
	s31 =	sshrl.u32 s0, $0x1  }
0xc: {  	v2 =	vlaneseq.u32;
	s4 =	sshrl.u32 s8, $0x3;
	s0 =	ssub.s32 s0, s31;
	s9 =	sshll.u32 s8, $0x7  }
0xd: {  	vm0 =	vmmov $0xffff;
	v1 =	vshrl.u32 v2, $0x3;
	s8 =	sadd.s32 $0x300, s2;
	s30 =	sadd.s32 s4, s2;
	s9 =	sadd.s32 s1, s9  }
0xe: {  	v0 =	vand.u32 $0x7, v2;
	v2 =	vor.u32 $0x8, v2;
	v1 =	vmul.u32 $0x8, v1;
	s10 =	smax.u32 s0, $0x1;
	s4 =	sadd.s32 $0x60600, s30;
	s5 =	sadd.s32 $0x60400, s30  }
.LBB2_1:
0xf: {  	[tilespmem:s3], [sflag:$0x1] =	stream.linear.gather [hbm4b:s4+s3], $0x20, $0x38;
	[tilespmem:$0x10100] =	vst v63  }
0x10: {  	s0 =	simm.s32 $0x80  }
0x11: {  	[tilespmem:s0], [sflag:$0x2] =	stream.linear.gather [hbm4b:s5+s3], $0x20, $0x38;
	[tilespmem:$0x10100] =	vst v63  }
0x12: {  	_ =	swait.ge [sflag:s12], $0x20  }
0x13: {  	[sflag:s12] =	ssyncset.done $0x0  }
0x14: {  	[sflag:s12] =	ssyncadd.s32 $0xFFFFFFE0  }
0x15: {  	_ =	swait.ge [sflag:s13], $0x20  }
0x16: {  	[sflag:s13] =	ssyncset.done $0x0  }
0x17: {  	[sflag:s13] =	ssyncadd.s32 $0xFFFFFFE0  }
0x18: {  	v3 =	vld [tilespmem:$0x0];
	_ =	sdelay $0x4  }
0x19: {  	v4 =	vshll.u32 v3, $0x3  }
0x1a: {  	v3 =	vand.u32 $0x7, v3;
	v4 =	vand.u32 $0xFFFFFFC0, v4  }
0x1b: {  	v3 =	vor.u32 v3, v4  }
0x1c: {  	v4 =	vperm.xlane v3, v0;
	_ =	sdelay $0x1  }
0x1d: {  	v4 =	vadd.s32 v1, v4;
	_ =	sdelay $0x4  }
0x1e: {  	[tilespmem:s14], [sflag:$0x1] =	stream.indirect_vreg.gather [hbm4b:s2+s3], $0x80, v4, vm0, $0xb8;
	[tilespmem:$0x10100] =	vst v63  }
0x1f: {  	s11 =	simm.s32 $0x900;
	v3 =	vperm.xlane v3, v2  }
0x20: {  	[tilespmem:s11], [sflag:$0x1] =	stream.indirect_vreg.gather [hbm4b:s6+s3], $0x80, v4, vm0, $0xb8;
	[tilespmem:$0x10100] =	vst v63  }
0x21: {  	s15 =	simm.s32 $0x1100;
	v3 =	vadd.s32 v1, v3  }
0x22: {  	[tilespmem:s15], [sflag:$0x1] =	stream.indirect_vreg.gather [hbm4b:s7+s3], $0x80, v4, vm0, $0xb8;
	[tilespmem:$0x10100] =	vst v63  }
0x23: {  	s1 =	simm.s32 $0x1900  }
0x24: {  	[tilespmem:s1], [sflag:$0x1] =	stream.indirect_vreg.gather [hbm4b:s8+s3], $0x80, v4, vm0, $0xb8;
	[tilespmem:$0x10100] =	vst v63  }
0x25: {  	s11 =	simm.s32 $0x2100  }
0x26: {  	[tilespmem:s11], [sflag:$0x1] =	stream.indirect_vreg.gather [hbm4b:s2+s3], $0x80, v3, vm0, $0xb8;
	[tilespmem:$0x10100] =	vst v63  }
0x27: {  	s15 =	simm.s32 $0x2900  }
0x28: {  	[tilespmem:s15], [sflag:$0x1] =	stream.indirect_vreg.gather [hbm4b:s6+s3], $0x80, v3, vm0, $0xb8;
	[tilespmem:$0x10100] =	vst v63  }
0x29: {  	s1 =	simm.s32 $0x3100  }
0x2a: {  	[tilespmem:s1], [sflag:$0x1] =	stream.indirect_vreg.gather [hbm4b:s7+s3], $0x80, v3, vm0, $0xb8;
	[tilespmem:$0x10100] =	vst v63  }
0x2b: {  	s11 =	simm.s32 $0x3900  }
0x2c: {  	[tilespmem:s11], [sflag:$0x1] =	stream.indirect_vreg.gather [hbm4b:s8+s3], $0x80, v3, vm0, $0xb8;
	[tilespmem:$0x10100] =	vst v63  }
0x2d: {  	v3 =	vld [tilespmem:$0x10];
	_ =	sdelay $0x4  }
0x2e: {  	v61 =	vshll.u32 v3, $0x3  }
0x2f: {  	v3 =	vand.u32 $0x7, v3;
	v4 =	vand.u32 $0xFFFFFFC0, v61  }
0x30: {  	v3 =	vor.u32 v3, v4  }
0x31: {  	v4 =	vperm.xlane v3, v0;
	_ =	sdelay $0x1  }
0x32: {  	v4 =	vadd.s32 v1, v4;
	_ =	sdelay $0x3  }
0x33: {  	s15 =	simm.s32 $0x4100  }
0x34: {  	[tilespmem:s15], [sflag:$0x1] =	stream.indirect_vreg.gather [hbm4b:s2+s3], $0x80, v4, vm0, $0xb8;
	[tilespmem:$0x10100] =	vst v63  }
0x35: {  	s1 =	simm.s32 $0x4900;
	v3 =	vperm.xlane v3, v2  }
0x36: {  	[tilespmem:s1], [sflag:$0x1] =	stream.indirect_vreg.gather [hbm4b:s6+s3], $0x80, v4, vm0, $0xb8;
	[tilespmem:$0x10100] =	vst v63  }
0x37: {  	s11 =	simm.s32 $0x5100;
	v3 =	vadd.s32 v1, v3  }
0x38: {  	[tilespmem:s11], [sflag:$0x1] =	stream.indirect_vreg.gather [hbm4b:s7+s3], $0x80, v4, vm0, $0xb8;
	[tilespmem:$0x10100] =	vst v63  }
0x39: {  	s15 =	simm.s32 $0x5900  }
0x3a: {  	[tilespmem:s15], [sflag:$0x1] =	stream.indirect_vreg.gather [hbm4b:s8+s3], $0x80, v4, vm0, $0xb8;
	[tilespmem:$0x10100] =	vst v63  }
0x3b: {  	s1 =	simm.s32 $0x6100  }
0x3c: {  	[tilespmem:s1], [sflag:$0x1] =	stream.indirect_vreg.gather [hbm4b:s2+s3], $0x80, v3, vm0, $0xb8;
	[tilespmem:$0x10100] =	vst v63  }
0x3d: {  	s11 =	simm.s32 $0x6900  }
0x3e: {  	[tilespmem:s11], [sflag:$0x1] =	stream.indirect_vreg.gather [hbm4b:s6+s3], $0x80, v3, vm0, $0xb8;
	[tilespmem:$0x10100] =	vst v63  }
0x3f: {  	s15 =	simm.s32 $0x7100  }
0x40: {  	[tilespmem:s15], [sflag:$0x1] =	stream.indirect_vreg.gather [hbm4b:s7+s3], $0x80, v3, vm0, $0xb8;
	[tilespmem:$0x10100] =	vst v63  }
0x41: {  	s1 =	simm.s32 $0x7900  }
0x42: {  	[tilespmem:s1], [sflag:$0x1] =	stream.indirect_vreg.gather [hbm4b:s8+s3], $0x80, v3, vm0, $0xb8;
	[tilespmem:$0x10100] =	vst v63  }
0x43: {  	v3 =	vld [tilespmem:$0x80];
	_ =	sdelay $0x4  }
0x44: {  	v62 =	vshll.u32 v3, $0x3  }
0x45: {  	v3 =	vand.u32 $0x7, v3;
	v4 =	vand.u32 $0xFFFFFFC0, v62  }
0x46: {  	v3 =	vor.u32 v3, v4  }
0x47: {  	v4 =	vperm.xlane v3, v0;
	_ =	sdelay $0x1  }
0x48: {  	v4 =	vadd.s32 v1, v4;
	_ =	sdelay $0x3  }
0x49: {  	s11 =	simm.s32 $0x8100  }
0x4a: {  	[tilespmem:s11], [sflag:$0x2] =	stream.indirect_vreg.gather [hbm4b:s2+s3], $0x80, v4, vm0, $0xb8;
	[tilespmem:$0x10100] =	vst v63  }
0x4b: {  	s15 =	simm.s32 $0x8900;
	v3 =	vperm.xlane v3, v2  }
0x4c: {  	[tilespmem:s15], [sflag:$0x2] =	stream.indirect_vreg.gather [hbm4b:s6+s3], $0x80, v4, vm0, $0xb8;
	[tilespmem:$0x10100] =	vst v63  }
0x4d: {  	s1 =	simm.s32 $0x9100;
	v3 =	vadd.s32 v1, v3  }
0x4e: {  	[tilespmem:s1], [sflag:$0x2] =	stream.indirect_vreg.gather [hbm4b:s7+s3], $0x80, v4, vm0, $0xb8;
	[tilespmem:$0x10100] =	vst v63  }
0x4f: {  	s11 =	simm.s32 $0x9900  }
0x50: {  	[tilespmem:s11], [sflag:$0x2] =	stream.indirect_vreg.gather [hbm4b:s8+s3], $0x80, v4, vm0, $0xb8;
	[tilespmem:$0x10100] =	vst v63  }
0x51: {  	s15 =	simm.s32 $0xA100  }
0x52: {  	[tilespmem:s15], [sflag:$0x2] =	stream.indirect_vreg.gather [hbm4b:s2+s3], $0x80, v3, vm0, $0xb8;
	[tilespmem:$0x10100] =	vst v63  }
0x53: {  	_ = 	snop  }
0x54: {  	[tilespmem:s16], [sflag:$0x2] =	stream.indirect_vreg.gather [hbm4b:s6+s3], $0x80, v3, vm0, $0xb8;
	[tilespmem:$0x10100] =	vst v63  }
0x55: {  	_ = 	snop  }
0x56: {  	[tilespmem:s17], [sflag:$0x2] =	stream.indirect_vreg.gather [hbm4b:s7+s3], $0x80, v3, vm0, $0xb8;
	[tilespmem:$0x10100] =	vst v63  }
0x57: {  	_ = 	snop  }
0x58: {  	[tilespmem:s18], [sflag:$0x2] =	stream.indirect_vreg.gather [hbm4b:s8+s3], $0x80, v3, vm0, $0xb8;
	[tilespmem:$0x10100] =	vst v63  }
0x59: {  	v3 =	vld [tilespmem:$0x90];
	_ =	sdelay $0x4  }
0x5a: {  	v63 =	vshll.u32 v3, $0x3  }
0x5b: {  	v3 =	vand.u32 $0x7, v3;
	v4 =	vand.u32 $0xFFFFFFC0, v63  }
0x5c: {  	v3 =	vor.u32 v3, v4  }
0x5d: {  	v4 =	vperm.xlane v3, v0;
	_ =	sdelay $0x1  }
0x5e: {  	v4 =	vadd.s32 v1, v4;
	_ =	sdelay $0x4  }
0x5f: {  	[tilespmem:s19], [sflag:$0x2] =	stream.indirect_vreg.gather [hbm4b:s2+s3], $0x80, v4, vm0, $0xb8;
	[tilespmem:$0x10100] =	vst v63  }
0x60: {  	v3 =	vperm.xlane v3, v2  }
0x61: {  	[tilespmem:s20], [sflag:$0x2] =	stream.indirect_vreg.gather [hbm4b:s6+s3], $0x80, v4, vm0, $0xb8;
	[tilespmem:$0x10100] =	vst v63  }
0x62: {  	v3 =	vadd.s32 v1, v3  }
0x63: {  	[tilespmem:s21], [sflag:$0x2] =	stream.indirect_vreg.gather [hbm4b:s7+s3], $0x80, v4, vm0, $0xb8;
	[tilespmem:$0x10100] =	vst v63  }
0x64: {  	_ = 	snop  }
0x65: {  	[tilespmem:s22], [sflag:$0x2] =	stream.indirect_vreg.gather [hbm4b:s8+s3], $0x80, v4, vm0, $0xb8;
	[tilespmem:$0x10100] =	vst v63  }
0x66: {  	_ = 	snop  }
0x67: {  	[tilespmem:s23], [sflag:$0x2] =	stream.indirect_vreg.gather [hbm4b:s2+s3], $0x80, v3, vm0, $0xb8;
	[tilespmem:$0x10100] =	vst v63  }
0x68: {  	_ = 	snop  }
0x69: {  	[tilespmem:s24], [sflag:$0x2] =	stream.indirect_vreg.gather [hbm4b:s6+s3], $0x80, v3, vm0, $0xb8;
	[tilespmem:$0x10100] =	vst v63  }
0x6a: {  	_ = 	snop  }
0x6b: {  	[tilespmem:s25], [sflag:$0x2] =	stream.indirect_vreg.gather [hbm4b:s7+s3], $0x80, v3, vm0, $0xb8;
	[tilespmem:$0x10100] =	vst v63  }
0x6c: {  	_ = 	snop  }
0x6d: {  	[tilespmem:s26], [sflag:$0x2] =	stream.indirect_vreg.gather [hbm4b:s8+s3], $0x80, v3, vm0, $0xb8;
	[tilespmem:$0x10100] =	vst v63  }
0x6e: {  	_ =	swait.ge [sflag:s12], $0x8000  }
0x6f: {  	[sflag:s12] =	ssyncset.done $0x0  }
0x70: {  	[sflag:s12] =	ssyncadd.s32 $0xFFFF8000  }
0x71: {  	_ =	swait.ge [sflag:s13], $0x8000  }
0x72: {  	s29 =	simm.s32 $0xFFFF8000;
	s30 =	simm.s32 $0x0;
	[sflag:s13] =	ssyncset.done $0x0  }
0x73: {  	s31 =	simm.s32 $0x0;
	s1 =	simm.s32 $0x0;
	[sflag:s13] =	ssyncadd.s32 $0xFFFF8000  }
.LBB2_2:
0x74: {  	s0 =	sadd.s32 $0x8000, s29  }
0x75: {  	s11 =	sand.u32 $0x380, s1;
	s0 =	sand.u32 $0x6000, s0  }
0x76: {  	s0 =	sor.u32 s11, s0  }
0x77: {  	v3 =	vld [tilespmem:s0+$0x100]  }
0x78: {  	v4 =	vld [tilespmem:s0+$0x8100]  }
0x79: {  	v5 =	vld [tilespmem:s0+$0x110]  }
0x7a: {  	v6 =	vld [tilespmem:s0+$0x8110]  }
0x7b: {  	v7 =	vld [tilespmem:s0+$0x120]  }
0x7c: {  	v8 =	vld [tilespmem:s0+$0x8120]  }
0x7d: {  	v9 =	vld [tilespmem:s0+$0x130]  }
0x7e: {  	v10 =	vld [tilespmem:s0+$0x8130]  }
0x7f: {  	v11 =	vld [tilespmem:s0+$0x140]  }
0x80: {  	v12 =	vld [tilespmem:s0+$0x8140]  }
0x81: {  	v13 =	vld [tilespmem:s0+$0x150]  }
0x82: {  	v14 =	vld [tilespmem:s0+$0x8150]  }
0x83: {  	v15 =	vld [tilespmem:s0+$0x160]  }
0x84: {  	v16 =	vld [tilespmem:s0+$0x8160]  }
0x85: {  	v17 =	vld [tilespmem:s0+$0x170]  }
0x86: {  	v18 =	vld [tilespmem:s0+$0x8170]  }
0x87: {  	v19 =	vld [tilespmem:s0+$0x500]  }
0x88: {  	v20 =	vld [tilespmem:s0+$0x8500]  }
0x89: {  	v21 =	vld [tilespmem:s0+$0x510]  }
0x8a: {  	v22 =	vld [tilespmem:s0+$0x8510]  }
0x8b: {  	v23 =	vld [tilespmem:s0+$0x520]  }
0x8c: {  	v24 =	vld [tilespmem:s0+$0x8520]  }
0x8d: {  	v25 =	vld [tilespmem:s0+$0x530]  }
0x8e: {  	v26 =	vld [tilespmem:s0+$0x8530]  }
0x8f: {  	v27 =	vld [tilespmem:s0+$0x540]  }
0x90: {  	v28 =	vld [tilespmem:s0+$0x8540]  }
0x91: {  	v29 =	vld [tilespmem:s0+$0x550]  }
0x92: {  	v30 =	vld [tilespmem:s0+$0x8550]  }
0x93: {  	v31 =	vld [tilespmem:s0+$0x560]  }
0x94: {  	v32 =	vld [tilespmem:s0+$0x8560]  }
0x95: {  	v33 =	vld [tilespmem:s0+$0x570]  }
0x96: {  	v34 =	vld [tilespmem:s0+$0x8570]  }
0x97: {  	v35 =	vld [tilespmem:s0+$0x900]  }
0x98: {  	v36 =	vld [tilespmem:s0+$0x8900]  }
0x99: {  	v37 =	vld [tilespmem:s0+$0x910]  }
0x9a: {  	v38 =	vld [tilespmem:s0+$0x8910]  }
0x9b: {  	v39 =	vld [tilespmem:s0+$0x920]  }
0x9c: {  	v40 =	vld [tilespmem:s0+$0x8920]  }
0x9d: {  	v41 =	vld [tilespmem:s0+$0x930]  }
0x9e: {  	v42 =	vld [tilespmem:s0+$0x8930]  }
0x9f: {  	v43 =	vld [tilespmem:s0+$0x940]  }
0xa0: {  	v44 =	vld [tilespmem:s0+$0x8940]  }
0xa1: {  	v45 =	vld [tilespmem:s0+$0x950]  }
0xa2: {  	v46 =	vld [tilespmem:s0+$0x8950]  }
0xa3: {  	v47 =	vld [tilespmem:s0+$0x960]  }
0xa4: {  	v48 =	vld [tilespmem:s0+$0x8960]  }
0xa5: {  	v49 =	vld [tilespmem:s0+$0x970]  }
0xa6: {  	v50 =	vld [tilespmem:s0+$0x8970]  }
0xa7: {  	v51 =	vld [tilespmem:s0+$0xD00]  }
0xa8: {  	v52 =	vld [tilespmem:s0+$0x8D00]  }
0xa9: {  	v53 =	vld [tilespmem:s0+$0xD10]  }
0xaa: {  	v54 =	vld [tilespmem:s0+$0x8D10]  }
0xab: {  	v55 =	vld [tilespmem:s0+$0xD20]  }
0xac: {  	v56 =	vld [tilespmem:s0+$0x8D20]  }
0xad: {  	v57 =	vld [tilespmem:s0+$0xD30]  }
0xae: {  	v58 =	vld [tilespmem:s0+$0x8D30]  }
0xaf: {  	v59 =	vld [tilespmem:s0+$0xD40]  }
0xb0: {  	v60 =	vld [tilespmem:s0+$0x8D40]  }
0xb1: {  	v61 =	vld [tilespmem:s0+$0xD50]  }
0xb2: {  	v62 =	vld [tilespmem:s0+$0x8D50]  }
0xb3: {  	v63 =	vld [tilespmem:s0+$0xD60]  }
0xb4: {  	v3 =	vadd.f32 v4, v3;
	v4 =	vld [tilespmem:s0+$0x8D60]  }
0xb5: {  	v5 =	vadd.f32 v6, v5;
	v6 =	vld [tilespmem:s0+$0xD70]  }
0xb6: {  	v14 =	vadd.f32 v14, v13;
	v13 =	vld [tilespmem:s0+$0x9120];
	[tilespmem:s0+$0x100] =	vst v3;
	v3 =	vadd.f32 v8, v7  }
0xb7: {  	v18 =	vadd.f32 v18, v17;
	v17 =	vld [tilespmem:s0+$0x9140];
	[tilespmem:s0+$0x110] =	vst v5  }
0xb8: {  	v22 =	vadd.f32 v22, v21;
	v21 =	vld [tilespmem:s0+$0x9160];
	[tilespmem:s0+$0x120] =	vst v3;
	v3 =	vadd.f32 v12, v11  }
0xb9: {  	v7 =	vld [tilespmem:s0+$0x8D70];
	[tilespmem:s0+$0x150] =	vst v14  }
0xba: {  	v8 =	vld [tilespmem:s0+$0x1100];
	[tilespmem:s0+$0x140] =	vst v3;
	v3 =	vadd.f32 v16, v15  }
0xbb: {  	v5 =	vadd.f32 v10, v9;
	v9 =	vld [tilespmem:s0+$0x9100];
	[tilespmem:s0+$0x170] =	vst v18  }
0xbc: {  	v10 =	vld [tilespmem:s0+$0x1110];
	[tilespmem:s0+$0x160] =	vst v3;
	v3 =	vadd.f32 v20, v19  }
0xbd: {  	v26 =	vadd.f32 v26, v25;
	v14 =	vld [tilespmem:s0+$0x1130];
	[tilespmem:s0+$0x510] =	vst v22  }
0xbe: {  	v18 =	vld [tilespmem:s0+$0x1150];
	[tilespmem:s0+$0x500] =	vst v3;
	v3 =	vadd.f32 v24, v23  }
0xbf: {  	v30 =	vadd.f32 v30, v29;
	[tilespmem:s0+$0x530] =	vst v26;
	v22 =	vld [tilespmem:s0+$0x1170]  }
0xc0: {  	v19 =	vld [tilespmem:s0+$0x9150];
	[tilespmem:s0+$0x520] =	vst v3;
	v3 =	vadd.f32 v28, v27  }
0xc1: {  	v34 =	vadd.f32 v34, v33;
	[tilespmem:s0+$0x550] =	vst v30;
	v11 =	vld [tilespmem:s0+$0x9110]  }
0xc2: {  	v12 =	vld [tilespmem:s0+$0x1120];
	[tilespmem:s0+$0x540] =	vst v3;
	v3 =	vadd.f32 v32, v31  }
0xc3: {  	[tilespmem:s0+$0x570] =	vst v34;
	v15 =	vld [tilespmem:s0+$0x9130]  }
0xc4: {  	v16 =	vld [tilespmem:s0+$0x1140];
	[tilespmem:s0+$0x560] =	vst v3;
	v3 =	vadd.f32 v36, v35  }
0xc5: {  	[tilespmem:s0+$0x130] =	vst v5;
	v20 =	vld [tilespmem:s0+$0x1160];
	v19 =	vadd.f32 v19, v18  }
0xc6: {  	v24 =	vld [tilespmem:s0+$0x1500];
	[tilespmem:s0+$0x900] =	vst v3;
	v3 =	vadd.f32 v40, v39  }
0xc7: {  	[tilespmem:s0+$0x1150] =	vst v19;
	v36 =	vadd.f32 v38, v37;
	v37 =	vld [tilespmem:s0+$0x9170]  }
0xc8: {  	v38 =	vadd.f32 v42, v41;
	v41 =	vld [tilespmem:s0+$0x1510];
	[tilespmem:s0+$0x920] =	vst v3;
	v3 =	vadd.f32 v44, v43  }
0xc9: {  	v42 =	vld [tilespmem:s0+$0x9510];
	[tilespmem:s0+$0x910] =	vst v36  }
0xca: {  	v35 =	vld [tilespmem:s0+$0x1910];
	[tilespmem:s0+$0x940] =	vst v3;
	v3 =	vadd.f32 v48, v47  }
0xcb: {  	v39 =	vld [tilespmem:s0+$0x9500];
	[tilespmem:s0+$0x930] =	vst v38;
	v40 =	vadd.f32 v46, v45  }
0xcc: {  	v45 =	vld [tilespmem:s0+$0x9520];
	[tilespmem:s0+$0x960] =	vst v3;
	v3 =	vadd.f32 v52, v51  }
0xcd: {  	v46 =	vadd.f32 v54, v53;
	v53 =	vld [tilespmem:s0+$0x1550];
	[tilespmem:s0+$0x950] =	vst v40  }
0xce: {  	v54 =	vld [tilespmem:s0+$0x9550];
	[tilespmem:s0+$0xD00] =	vst v3;
	v3 =	vadd.f32 v56, v55  }
0xcf: {  	v36 =	vld [tilespmem:s0+$0x9910];
	v43 =	vadd.f32 v50, v49;
	[tilespmem:s0+$0xD10] =	vst v46  }
0xd0: {  	v38 =	vld [tilespmem:s0+$0x1920];
	[tilespmem:s0+$0xD20] =	vst v3;
	v3 =	vadd.f32 v60, v59  }
0xd1: {  	v44 =	vld [tilespmem:s0+$0x1520];
	v49 =	vadd.f32 v58, v57;
	[tilespmem:s0+$0x970] =	vst v43  }
0xd2: {  	v50 =	vld [tilespmem:s0+$0x1540];
	[tilespmem:s0+$0xD40] =	vst v3;
	v3 =	vadd.f32 v4, v63  }
0xd3: {  	v57 =	vld [tilespmem:s0+$0x9560];
	v58 =	vadd.f32 v11, v10;
	[tilespmem:s0+$0xD30] =	vst v49  }
0xd4: {  	v46 =	vld [tilespmem:s0+$0x9950];
	[tilespmem:s0+$0xD60] =	vst v3;
	v3 =	vadd.f32 v9, v8  }
0xd5: {  	v37 =	vadd.f32 v37, v22;
	v40 =	vadd.f32 v42, v41;
	v41 =	vld [tilespmem:s0+$0x1930];
	[tilespmem:s0+$0x1110] =	vst v58  }
0xd6: {  	v42 =	vld [tilespmem:s0+$0x9930];
	[tilespmem:s0+$0x1100] =	vst v3;
	v3 =	vadd.f32 v13, v12  }
0xd7: {  	v47 =	vld [tilespmem:s0+$0x1530];
	[tilespmem:s0+$0x1170] =	vst v37  }
0xd8: {  	v48 =	vld [tilespmem:s0+$0x9530];
	[tilespmem:s0+$0x1120] =	vst v3;
	v3 =	vadd.f32 v17, v16  }
0xd9: {  	v49 =	vld [tilespmem:s0+$0x9960];
	[tilespmem:s0+$0x1510] =	vst v40;
	v52 =	vadd.f32 v62, v61  }
0xda: {  	v51 =	vld [tilespmem:s0+$0x9540];
	[tilespmem:s0+$0x1140] =	vst v3;
	v3 =	vadd.f32 v21, v20  }
0xdb: {  	v61 =	vadd.f32 v15, v14;
	v62 =	vld [tilespmem:s0+$0x1900];
	[tilespmem:s0+$0xD50] =	vst v52  }
0xdc: {  	v56 =	vld [tilespmem:s0+$0x1560];
	[tilespmem:s0+$0x1160] =	vst v3;
	v3 =	vadd.f32 v39, v24  }
0xdd: {  	v55 =	vadd.f32 v7, v6;
	[tilespmem:s0+$0x1130] =	vst v61;
	v52 =	vld [tilespmem:s0+$0x9970]  }
0xde: {  	v43 =	vadd.f32 v48, v47;
	v47 =	vld [tilespmem:s0+$0x1960];
	[tilespmem:s0+$0x1500] =	vst v3;
	v3 =	vadd.f32 v45, v44  }
0xdf: {  	[tilespmem:s0+$0xD70] =	vst v55;
	v63 =	vld [tilespmem:s0+$0x9900]  }
0xe0: {  	v59 =	vld [tilespmem:s0+$0x1570];
	[tilespmem:s0+$0x1520] =	vst v3;
	v3 =	vadd.f32 v51, v50  }
0xe1: {  	[tilespmem:s0+$0x1530] =	vst v43;
	v4 =	vadd.f32 v54, v53;
	v39 =	vld [tilespmem:s0+$0x9920]  }
0xe2: {  	v60 =	vld [tilespmem:s0+$0x9570];
	[tilespmem:s0+$0x1540] =	vst v3;
	v3 =	vadd.f32 v57, v56  }
0xe3: {  	v54 =	vadd.f32 v42, v41;
	[tilespmem:s0+$0x1550] =	vst v4;
	v45 =	vld [tilespmem:s0+$0x1950]  }
0xe4: {  	v53 =	vld [tilespmem:s0+$0x9940];
	[tilespmem:s0+$0x1560] =	vst v3;
	v3 =	vadd.f32 v63, v62  }
0xe5: {  	[tilespmem:s0+$0x1930] =	vst v54;
	v55 =	vadd.f32 v49, v47;
	v50 =	vld [tilespmem:s0+$0x1970]  }
0xe6: {  	v44 =	vld [tilespmem:s0+$0x1940];
	[tilespmem:s0+$0x1900] =	vst v3;
	v3 =	vadd.f32 v39, v38  }
0xe7: {  	v48 =	vadd.f32 v60, v59;
	[tilespmem:s0+$0x1960] =	vst v55  }
0xe8: {  	[tilespmem:s0+$0x1920] =	vst v3;
	v3 =	vadd.f32 v46, v45  }
0xe9: {  	s15 =	sand.u32 $0x7, s30;
	[tilespmem:s0+$0x1570] =	vst v48;
	v51 =	vadd.f32 v36, v35  }
0xea: {  	s11 =	sshll.u32 s15, $0x7;
	[tilespmem:s0+$0x1950] =	vst v3;
	v3 =	vadd.f32 v52, v50  }
0xeb: {  	s11 =	sadd.s32 s11, s31;
	[tilespmem:s0+$0x1910] =	vst v51;
	v56 =	vadd.f32 v53, v44  }
0xec: {  	s15 =	sor.u32 $0x1C00, s11;
	[tilespmem:s0+$0x1970] =	vst v3  }
0xed: {  	[tilespmem:s0+$0x1940] =	vst v56;
	v3 =	vld [tilespmem:s15+$0x100]  }
0xee: {  	v4 =	vld [tilespmem:s15+$0x8100];
	_ =	sdelay $0x4  }
0xef: {  	v3 =	vadd.f32 v4, v3;
	_ =	sdelay $0x1  }
0xf0: {  	[tilespmem:s15+$0x100] =	vst v3;
	s15 =	sor.u32 $0x1C10, s11  }
0xf1: {  	v3 =	vld [tilespmem:s15+$0x100]  }
0xf2: {  	v57 =	vld [tilespmem:s15+$0x8100];
	_ =	sdelay $0x4  }
0xf3: {  	v3 =	vadd.f32 v57, v3;
	_ =	sdelay $0x1  }
0xf4: {  	[tilespmem:s15+$0x100] =	vst v3;
	s15 =	sor.u32 $0x1C20, s11  }
0xf5: {  	v3 =	vld [tilespmem:s15+$0x100]  }
0xf6: {  	v58 =	vld [tilespmem:s15+$0x8100];
	_ =	sdelay $0x4  }
0xf7: {  	v3 =	vadd.f32 v58, v3;
	_ =	sdelay $0x1  }
0xf8: {  	[tilespmem:s15+$0x100] =	vst v3;
	s15 =	sor.u32 $0x1C30, s11  }
0xf9: {  	v3 =	vld [tilespmem:s15+$0x100]  }
0xfa: {  	v59 =	vld [tilespmem:s15+$0x8100];
	_ =	sdelay $0x4  }
0xfb: {  	v3 =	vadd.f32 v59, v3;
	_ =	sdelay $0x1  }
0xfc: {  	[tilespmem:s15+$0x100] =	vst v3;
	s15 =	sor.u32 $0x1C40, s11  }
0xfd: {  	v3 =	vld [tilespmem:s15+$0x100]  }
0xfe: {  	v60 =	vld [tilespmem:s15+$0x8100];
	_ =	sdelay $0x4  }
0xff: {  	v3 =	vadd.f32 v60, v3;
	_ =	sdelay $0x1  }
0x100: {  	[tilespmem:s15+$0x100] =	vst v3;
	s15 =	sor.u32 $0x1C50, s11  }
0x101: {  	v3 =	vld [tilespmem:s15+$0x100]  }
0x102: {  	v61 =	vld [tilespmem:s15+$0x8100];
	_ =	sdelay $0x4  }
0x103: {  	v3 =	vadd.f32 v61, v3;
	_ =	sdelay $0x1  }
0x104: {  	[tilespmem:s15+$0x100] =	vst v3;
	s15 =	sor.u32 $0x1C60, s11  }
0x105: {  	v3 =	vld [tilespmem:s15+$0x100]  }
0x106: {  	v62 =	vld [tilespmem:s15+$0x8100];
	_ =	sdelay $0x4  }
0x107: {  	v3 =	vadd.f32 v62, v3;
	_ =	sdelay $0x1  }
0x108: {  	[tilespmem:s15+$0x100] =	vst v3;
	s15 =	sor.u32 $0x1C70, s11  }
0x109: {  	v3 =	vld [tilespmem:s15+$0x100]  }
0x10a: {  	v63 =	vld [tilespmem:s15+$0x8100];
	_ =	sdelay $0x1  }
0x10b: {  	p0 =	sne.s32 s1, $0xF80  }
.Ltmp0:
0x10c: {  	_ = 	snop;
	(pc) =	sbr.rel @p0 .LBB2_2-.Ltmp0, $4  }
0x10d: {  	_ = 	snop  }
0x10e: {  	v3 =	vadd.f32 v63, v3  }
0x10f: {  	s30 =	sadd.s32 $0x1, s30  }
0x110: {  	s29 =	sadd.s32 $0x400, s29;
	s1 =	sadd.s32 $0x80, s1;
	s31 =	sadd.s32 $0x400, s31;
	[tilespmem:s15+$0x100] =	vst v3  }
0x111: {  	s28 =	sadd.s32 $0x1, s28  }
0x112: {  	p0 =	sne.s32 s28, s10  }
.Ltmp1:
0x113: {  	_ = 	snop;
	(pc) =	sbr.rel @p0 .LBB2_1-.Ltmp1, $4  }
0x114: {  	[hbm4b:s9+s3] =	stream.linear.scatter [tilespmem:s14], [sflag:$0x1], $0x8000, $0x38;
	[tilespmem:$0x10100] =	vst v63  }
0x115: {  	_ =	swait.ge [sflag:s12], $0x8000  }
0x116: {  	[sflag:s12] =	ssyncset.done $0x0  }
0x117: {  	[sflag:s12] =	ssyncadd.s32 $0xFFFF8000  }
0x118: {  	_ =	sfence.sel $0x180000  }
0x119: {  	[bflag:$0x0] =	sbarrier.arrive $0xFFFF  }
0x11a: {  	_ =	strace $0x9000004A  }
0x11b: {  	s0 =	stileid.u32;
	[bflag:$0x2] =	sbarrier.arrive $0xFFFF  }
0x11c: {  	p0 =	sne.s32 s0, $0x0;
	s0 =	rddreg [dreg:$0x2]  }
0x11d: {  	s0 =	sadd.s32 @!p0 $0x100000, s0  }
0x11e: {  	[sflag:s0] =	ssyncadd.tile.s32 @!p0 $0x1;
	_ =	shalt  }
.Lfunc_end2:
_tile_overlayer_lowered:
.L_overlay_start_2:
0x11f: {  	(tag) =	ssettag $0x2  }
0x120: {  	s0 =	rddreg [dreg:$0x0];
	s2 =	stileid.u32  }
0x121: {  	s1 =	rddreg [dreg:$0x1];
	p0 =	sne.s32 s2, $0x0  }
0x122: {  	s3 =	rddreg [dreg:$0x2];
	[bflag:$0x3] =	sbarrier.arrive $0xFFFF;
	s2 =	simm.s32 @!p0 $0x1C03  }
0x123: {  	[timem:s3], [sflag:s2] =	dma.local @!p0 [hbm:s0], s1  }
0x124: {  	s0 =	simm.s32 @!p0 $0x3  }
0x125: {  	_ =	swait.ge @!p0 [sflag:s0], s1  }
0x126: {  	s1 =	ssub.s32 @!p0 $0x0, s1;
	[sflag:s0] =	ssyncset.done @!p0 $0x0  }
0x127: {  	[sflag:s0] =	ssyncadd.s32 @!p0 s1  }
0x128: {  	[bflag:$0x3] =	sbarrier.arrive $0xFFFF  }
0x129: {  	_ =	shalt  }

</sc_bundles>
